<compile_context>
chip_gen: v7x
topology: tpu7x:2x2x1
jax: 0.10.2.dev20260603
libtpu: 0.0.44.dev20260713+nightly
codegen_flags: <defaults>
</compile_context>

<pallas_src>
import functools

import jax
import jax.numpy as jnp
from jax import lax
from jax.experimental import pallas as pl
from jax.experimental.pallas import tpu as pltpu
from jax.experimental.pallas import tpu_sc as plsc

N = 10000
E = 320000
G = 128
H = 64
BN_EPS = 1e-5

NC = 2
NS = 16
NW = NC * NS
CHUNK = 128
E_PAD = ((E + NW * CHUNK - 1) // (NW * CHUNK)) * (NW * CHUNK)
PER_W = E_PAD // NW
N_CHUNKS = PER_W // CHUNK
N_PAD = 10112
RPT = N_PAD // NS
D = 128


def _make_seg_sum(n_rows):
    mesh = plsc.VectorSubcoreMesh(core_axis_name="c", subcore_axis_name="s")

    @functools.partial(
        pl.kernel,
        mesh=mesh,
        out_type=jax.ShapeDtypeStruct((NC, N_PAD, D), jnp.float32),
        scratch_types=[
            pltpu.VMEM((CHUNK,), jnp.int32),
            pltpu.VMEM((CHUNK,), jnp.int32),
            pltpu.VMEM((CHUNK, D), jnp.float32),
            pltpu.VMEM_SHARED((N_PAD, D), jnp.float32),
            pltpu.SemaphoreType.DMA,
        ],
    )
    def seg_sum(h_hbm, src_hbm, dst_hbm, zeros_hbm, out_hbm,
                sidx, didx, rows, acc, gsem):
        ci = lax.axis_index("c")
        si = lax.axis_index("s")
        wid = ci * NS + si
        r0 = si * RPT
        base = wid * PER_W
        pltpu.sync_copy(zeros_hbm.at[pl.ds(r0, RPT)], acc.at[pl.ds(r0, RPT)])
        plsc.subcore_barrier()

        def body(j, carry):
            off = base + j * CHUNK
            pltpu.sync_copy(src_hbm.at[pl.ds(off, CHUNK)], sidx)
            pltpu.sync_copy(dst_hbm.at[pl.ds(off, CHUNK)], didx)
            pltpu.async_copy(h_hbm.at[sidx], rows, gsem).wait()
            pltpu.sync_copy(rows, acc.at[didx], add=True)
            return carry

        lax.fori_loop(0, N_CHUNKS, body, 0)
        plsc.subcore_barrier()
        pltpu.sync_copy(acc.at[pl.ds(r0, RPT)], out_hbm.at[ci, pl.ds(r0, RPT)])

    return seg_sum


def _mlp_bn(u, W1, b1, g, beta, W2, b2):
    h1 = jnp.dot(u, W1, preferred_element_type=jnp.float32) + b1
    mu = jnp.mean(h1, axis=0, keepdims=True)
    var = jnp.mean(jnp.square(h1 - mu), axis=0, keepdims=True)
    hn = (h1 - mu) * lax.rsqrt(var + BN_EPS) * g + beta
    return jnp.dot(jnp.maximum(hn, 0.0), W2, preferred_element_type=jnp.float32) + b2


def _layer0_body(x_ref, p_ref, W1_ref, b1_ref, g_ref, beta_ref, W2_ref, b2_ref,
                 out_ref):
    u = x_ref[...] + p_ref[0, :N, :] + p_ref[1, :N, :]
    h2 = _mlp_bn(u, W1_ref[...], b1_ref[...], g_ref[...], beta_ref[...],
                 W2_ref[...], b2_ref[...])
    out_ref[...] = jnp.zeros((N_PAD, D), jnp.float32)
    out_ref[:N, :H] = jnp.maximum(h2, 0.0)


def _layer_body(x_ref, p_ref, W1_ref, b1_ref, g_ref, beta_ref, W2_ref, b2_ref,
                out_ref):
    u = x_ref[:N, :H] + p_ref[0, :N, :H] + p_ref[1, :N, :H]
    h2 = _mlp_bn(u, W1_ref[...], b1_ref[...], g_ref[...], beta_ref[...],
                 W2_ref[...], b2_ref[...])
    out_ref[...] = jnp.zeros((N_PAD, D), jnp.float32)
    out_ref[:N, :H] = jnp.maximum(h2, 0.0)


def _final_body(x_ref, p_ref, W1_ref, b1_ref, g_ref, beta_ref, W2_ref, b2_ref,
                batch_ref, fW1_ref, fb1_ref, fW2_ref, fb2_ref, out_ref):
    u = x_ref[:N, :H] + p_ref[0, :N, :H] + p_ref[1, :N, :H]
    h = jnp.maximum(
        _mlp_bn(u, W1_ref[...], b1_ref[...], g_ref[...], beta_ref[...],
                W2_ref[...], b2_ref[...]), 0.0)
    gids = lax.broadcasted_iota(jnp.int32, (1, G), 1)
    onehot = (batch_ref[...] == gids).astype(jnp.float32)
    pooled = lax.dot_general(onehot, h, (((0,), (0,)), ((), ())),
                             preferred_element_type=jnp.float32)
    z = jnp.maximum(jnp.dot(pooled, fW1_ref[...],
                            preferred_element_type=jnp.float32) + fb1_ref[...], 0.0)
    out_ref[...] = jnp.dot(z, fW2_ref[...],
                           preferred_element_type=jnp.float32) + fb2_ref[...]


def _layer_tc(body, x, p, W1, b1, g, beta, W2, b2):
    return pl.pallas_call(
        body,
        out_shape=jax.ShapeDtypeStruct((N_PAD, D), jnp.float32),
    )(x, p, W1, b1.reshape(1, -1), g.reshape(1, -1), beta.reshape(1, -1),
      W2, b2.reshape(1, -1))


def _final_tc(x, p, W1, b1, g, beta, W2, b2, batch, fW1, fb1, fW2, fb2):
    return pl.pallas_call(
        _final_body,
        out_shape=jax.ShapeDtypeStruct((G, fW2.shape[1]), jnp.float32),
    )(x, p, W1, b1.reshape(1, -1), g.reshape(1, -1), beta.reshape(1, -1),
      W2, b2.reshape(1, -1), batch.reshape(-1, 1),
      fW1, fb1.reshape(1, -1), fW2, fb2.reshape(1, -1))


def kernel(x, edge_index, batch, c0_W1, c0_b1, c0_g, c0_beta, c0_W2, c0_b2,
           cs_W1, cs_b1, cs_g, cs_beta, cs_W2, cs_b2, f_W1, f_b1, f_W2, f_b2):
    pad = E_PAD - E
    src = jnp.concatenate([edge_index[0], jnp.zeros((pad,), jnp.int32)])
    dst = jnp.concatenate([edge_index[1], jnp.full((pad,), N, jnp.int32)])
    zeros = jnp.zeros((N_PAD, D), jnp.float32)

    seg_x = _make_seg_sum(N)
    seg_h = _make_seg_sum(N_PAD)

    p = seg_x(x, src, dst, zeros)
    h = _layer_tc(_layer0_body, x, p, c0_W1, c0_b1, c0_g, c0_beta, c0_W2, c0_b2)
    for i in range(3):
        p = seg_h(h, src, dst, zeros)
        h = _layer_tc(_layer_body, h, p, cs_W1[i], cs_b1[i], cs_g[i],
                      cs_beta[i], cs_W2[i], cs_b2[i])
    p = seg_h(h, src, dst, zeros)
    return _final_tc(h, p, cs_W1[3], cs_b1[3], cs_g[3], cs_beta[3],
                     cs_W2[3], cs_b2[3], batch, f_W1, f_b1, f_W2, f_b2)

# --- scband reference (transcript-rebuilt; emitter-appended) ---
"""Pipeline reference for scband-gin-12189117186507 (READ-ONLY COPY).

The authoritative reference and input builder live on the scoring server;
editing this copy changes nothing except your own understanding.
"""

import jax, jax.numpy as jnp
import numpy as np

N = 10000
E = 320000
D_IN = 128
H = 64
OUT = 10
G = 128
BN_EPS = 1e-5


def _mlp_bn(x, W1, b1, g, b, W2, b2):
    # PyG MLP([in, 64, 64]): Linear -> BatchNorm -> ReLU -> Linear (plain_last=True)
    h = x @ W1 + b1
    mu = jnp.mean(h, axis=0)
    var = jnp.var(h, axis=0)
    h = (h - mu) / jnp.sqrt(var + BN_EPS) * g + b
    h = jax.nn.relu(h)
    return h @ W2 + b2


def setup_inputs(seed: int = 0) -> dict:
    key = jax.random.key(seed)
    ks = jax.random.split(key, 16)
    s = 0.05
    inp = {}
    inp["x"] = jax.random.normal(ks[0], (N, D_IN), dtype=jnp.float32)
    inp["edge_index"] = jax.random.randint(ks[1], (2, E), 0, N, dtype=jnp.int32)
    inp["batch"] = jnp.sort(jax.random.randint(ks[2], (N,), 0, G, dtype=jnp.int32))
    # conv 0 (in=128 -> 64 -> 64)
    inp["c0_W1"] = jax.random.normal(ks[3], (D_IN, H), dtype=jnp.float32) * s
    inp["c0_b1"] = jnp.zeros((H,), dtype=jnp.float32)
    inp["c0_g"] = jnp.ones((H,), dtype=jnp.float32)
    inp["c0_beta"] = jnp.zeros((H,), dtype=jnp.float32)
    inp["c0_W2"] = jax.random.normal(ks[4], (H, H), dtype=jnp.float32) * s
    inp["c0_b2"] = jnp.zeros((H,), dtype=jnp.float32)
    # convs 1..4 (64 -> 64 -> 64), stacked
    inp["cs_W1"] = jax.random.normal(ks[5], (4, H, H), dtype=jnp.float32) * s
    inp["cs_b1"] = jnp.zeros((4, H), dtype=jnp.float32)
    inp["cs_g"] = jnp.ones((4, H), dtype=jnp.float32)
    inp["cs_beta"] = jnp.zeros((4, H), dtype=jnp.float32)
    inp["cs_W2"] = jax.random.normal(ks[6], (4, H, H), dtype=jnp.float32) * s
    inp["cs_b2"] = jnp.zeros((4, H), dtype=jnp.float32)
    # final MLP([64, 64, OUT], norm=None, dropout=0.5) -> eval-mode dropout = identity
    inp["f_W1"] = jax.random.normal(ks[7], (H, H), dtype=jnp.float32) * s
    inp["f_b1"] = jnp.zeros((H,), dtype=jnp.float32)
    inp["f_W2"] = jax.random.normal(ks[8], (H, OUT), dtype=jnp.float32) * s
    inp["f_b2"] = jnp.zeros((OUT,), dtype=jnp.float32)
    return inp


def reference(x, edge_index, batch, c0_W1, c0_b1, c0_g, c0_beta, c0_W2, c0_b2,
              cs_W1, cs_b1, cs_g, cs_beta, cs_W2, cs_b2, f_W1, f_b1, f_W2, f_b2):
    src = edge_index[0]
    dst = edge_index[1]
    # GINConv, eps=0 (train_eps=False): out = MLP((1+eps)*x + sum_{j->i} x_j)
    agg = jax.ops.segment_sum(x[src], dst, num_segments=N)
    h = _mlp_bn(x + agg, c0_W1, c0_b1, c0_g, c0_beta, c0_W2, c0_b2)
    h = jax.nn.relu(h)
    for i in range(4):
        agg = jax.ops.segment_sum(h[src], dst, num_segments=N)
        h = _mlp_bn(h + agg, cs_W1[i], cs_b1[i], cs_g[i], cs_beta[i], cs_W2[i], cs_b2[i])
        h = jax.nn.relu(h)
    pooled = jax.ops.segment_sum(h, batch, num_segments=G)
    out = jax.nn.relu(pooled @ f_W1 + f_b1)
    out = out @ f_W2 + f_b2
    return out

if __name__ == "__main__":
    import jax
    _d = setup_inputs()
    print(jax.jit(kernel)(*tuple(_d.values())))

</pallas_src>

<mosaic_0001>
#map = affine_map<(d0, d1) -> (0, 0)>
#map1 = affine_map<(d0, d1) -> (0)>
#map2 = affine_map<(d0, d1) -> (0, 0, 0)>
module attributes {stable_mosaic.version = 14 : i64} {
  func.func @seg_sum(%arg0: i32, %arg1: i32, %arg2: memref<10000x128xf32, #tpu.memory_space<hbm>>, %arg3: memref<323584xi32, #tpu.memory_space<hbm>>, %arg4: memref<323584xi32, #tpu.memory_space<hbm>>, %arg5: memref<10112x128xf32, #tpu.memory_space<hbm>>, %arg6: memref<2x10112x128xf32, #tpu.memory_space<hbm>>, %arg7: memref<128xi32, #tpu.memory_space<vmem>>, %arg8: memref<128xi32, #tpu.memory_space<vmem>>, %arg9: memref<128x128xf32, #tpu.memory_space<vmem>>, %arg10: memref<10112x128xf32, #tpu.memory_space<vmem_shared>>, %arg11: memref<!tpu.dma_semaphore, #tpu.memory_space<semaphore_mem>>) attributes {dimension_semantics = [#tpu.dimension_semantics<core_parallel>, #tpu.dimension_semantics<subcore_parallel>], iteration_bounds = array<i64: 2, 16>, scalar_prefetch = 0 : i64, scratch_operands = 5 : i64, tpu.core_type = #tpu.core_type<sc_vector_subcore>, window_params = [{transform_indices = #map}, {transform_indices = #map1}, {transform_indices = #map1}, {transform_indices = #map}, {transform_indices = #map2}]} {
    %mul3A = arith.constant 16 : i32
    %mul3A_0 = arith.muli %arg0, %mul3A : i32
    %add3A = arith.addi %mul3A_0, %arg1 : i32
    %mul3A_1 = arith.constant 632 : i32
    %mul3A_2 = arith.muli %arg1, %mul3A_1 : i32
    %mul3A_3 = arith.constant 10112 : i32
    %mul3A_4 = arith.muli %add3A, %mul3A_3 : i32
    "tpu.region"() ({
      %run_scoped3A = tpu.sem_alloc : memref<!tpu.dma_semaphore, #tpu.memory_space<semaphore_mem>>
      %dma_start3A = arith.constant 0 : i32
      %dma_start3A_11 = tpu.memref_slice %arg10[%mul3A_2, %dma_start3A] : memref<10112x128xf32, #tpu.memory_space<vmem_shared>> -> memref<632x128xf32, #tpu.memory_space<vmem_shared>>
      %dma_start3A_12 = arith.constant 0 : i32
      %dma_start3A_13 = tpu.memref_slice %arg5[%mul3A_2, %dma_start3A_12] : memref<10112x128xf32, #tpu.memory_space<hbm>> -> memref<632x128xf32, #tpu.memory_space<hbm>>
      tpu.enqueue_dma source(%dma_start3A_13 : memref<632x128xf32, #tpu.memory_space<hbm>>) target(%dma_start3A_11 : memref<632x128xf32, #tpu.memory_space<vmem_shared>>) target_semaphore(%run_scoped3A : memref<!tpu.dma_semaphore, #tpu.memory_space<semaphore_mem>>)
      %dma_wait3A = arith.constant 0 : i32
      %dma_wait3A_14 = tpu.memref_slice %arg10[%mul3A_2, %dma_wait3A] : memref<10112x128xf32, #tpu.memory_space<vmem_shared>> -> memref<632x128xf32, #tpu.memory_space<vmem_shared>>
      %dma_wait3A_15 = arith.constant 0 : i32
      %dma_wait3A_16 = tpu.memref_slice %arg5[%mul3A_2, %dma_wait3A_15] : memref<10112x128xf32, #tpu.memory_space<hbm>> -> memref<632x128xf32, #tpu.memory_space<hbm>>
      tpu.wait_dma2 semaphore(%run_scoped3A : memref<!tpu.dma_semaphore, #tpu.memory_space<semaphore_mem>>) src(%dma_wait3A_16 : memref<632x128xf32, #tpu.memory_space<hbm>>) dst(%dma_wait3A_14 : memref<632x128xf32, #tpu.memory_space<vmem_shared>>)
      tpu.yield
    }) : () -> ()
    %barrier3A = arith.constant 0 : index
    tpu.barrier barrier_id(%barrier3A)
    %scan3A = arith.constant 0 : i32
    %scan3A_5 = arith.constant 0 : i32
    %scan3A_6 = arith.constant 79 : i32
    %scan3A_7 = arith.addi %scan3A_5, %scan3A_6 : i32
    %scan3A_8 = arith.constant 1 : i32
    scf.for %scan3A_11 = %scan3A_5 to %scan3A_7 step %scan3A_8  : i32 {
      %mul3A_12 = arith.constant 128 : i32
      %mul3A_13 = arith.muli %scan3A_11, %mul3A_12 : i32
      %add3A_14 = arith.addi %mul3A_4, %mul3A_13 : i32
      "tpu.region"() ({
        %run_scoped3A = tpu.sem_alloc : memref<!tpu.dma_semaphore, #tpu.memory_space<semaphore_mem>>
        %dma_start3A_19 = tpu.memref_slice %arg3[%add3A_14] : memref<323584xi32, #tpu.memory_space<hbm>> -> memref<128xi32, #tpu.memory_space<hbm>>
        %dma_start3A_20 = tpu.memref_slice %arg3[%add3A_14] : memref<323584xi32, #tpu.memory_space<hbm>> -> memref<128xi32, #tpu.memory_space<hbm>>
        tpu.enqueue_dma source(%dma_start3A_20 : memref<128xi32, #tpu.memory_space<hbm>>) target(%arg7 : memref<128xi32, #tpu.memory_space<vmem>>) target_semaphore(%run_scoped3A : memref<!tpu.dma_semaphore, #tpu.memory_space<semaphore_mem>>)
        %dma_wait3A_21 = tpu.memref_slice %arg3[%add3A_14] : memref<323584xi32, #tpu.memory_space<hbm>> -> memref<128xi32, #tpu.memory_space<hbm>>
        %dma_wait3A_22 = tpu.memref_slice %arg3[%add3A_14] : memref<323584xi32, #tpu.memory_space<hbm>> -> memref<128xi32, #tpu.memory_space<hbm>>
        tpu.wait_dma2 semaphore(%run_scoped3A : memref<!tpu.dma_semaphore, #tpu.memory_space<semaphore_mem>>) src(%dma_wait3A_22 : memref<128xi32, #tpu.memory_space<hbm>>) dst(%arg7 : memref<128xi32, #tpu.memory_space<vmem>>)
        tpu.yield
      }) : () -> ()
      "tpu.region"() ({
        %run_scoped3A = tpu.sem_alloc : memref<!tpu.dma_semaphore, #tpu.memory_space<semaphore_mem>>
        %dma_start3A_19 = tpu.memref_slice %arg4[%add3A_14] : memref<323584xi32, #tpu.memory_space<hbm>> -> memref<128xi32, #tpu.memory_space<hbm>>
        %dma_start3A_20 = tpu.memref_slice %arg4[%add3A_14] : memref<323584xi32, #tpu.memory_space<hbm>> -> memref<128xi32, #tpu.memory_space<hbm>>
        tpu.enqueue_dma source(%dma_start3A_20 : memref<128xi32, #tpu.memory_space<hbm>>) target(%arg8 : memref<128xi32, #tpu.memory_space<vmem>>) target_semaphore(%run_scoped3A : memref<!tpu.dma_semaphore, #tpu.memory_space<semaphore_mem>>)
        %dma_wait3A_21 = tpu.memref_slice %arg4[%add3A_14] : memref<323584xi32, #tpu.memory_space<hbm>> -> memref<128xi32, #tpu.memory_space<hbm>>
        %dma_wait3A_22 = tpu.memref_slice %arg4[%add3A_14] : memref<323584xi32, #tpu.memory_space<hbm>> -> memref<128xi32, #tpu.memory_space<hbm>>
        tpu.wait_dma2 semaphore(%run_scoped3A : memref<!tpu.dma_semaphore, #tpu.memory_space<semaphore_mem>>) src(%dma_wait3A_22 : memref<128xi32, #tpu.memory_space<hbm>>) dst(%arg8 : memref<128xi32, #tpu.memory_space<vmem>>)
        tpu.yield
      }) : () -> ()
      %dma_start3A = arith.constant 0 : i32
      %dma_start3A_15 = arith.constant 0 : i32
      %dma_start3A_16 = tpu.memref_slice %arg2[%dma_start3A, %dma_start3A_15] : memref<10000x128xf32, #tpu.memory_space<hbm>> -> memref<10000x128xf32, #tpu.memory_space<hbm>>
      tpu.enqueue_indirect_dma source(%dma_start3A_16 : memref<10000x128xf32, #tpu.memory_space<hbm>>) target(%arg9 : memref<128x128xf32, #tpu.memory_space<vmem>>) offsets(%arg7 : memref<128xi32, #tpu.memory_space<vmem>>) semaphore(%arg11 : memref<!tpu.dma_semaphore, #tpu.memory_space<semaphore_mem>>)
      %dma_wait3A = arith.constant 0 : i32
      %dma_wait3A_17 = arith.constant 0 : i32
      %dma_wait3A_18 = tpu.memref_slice %arg2[%dma_wait3A, %dma_wait3A_17] : memref<10000x128xf32, #tpu.memory_space<hbm>> -> memref<10000x128xf32, #tpu.memory_space<hbm>>
      tpu.wait_indirect_dma semaphore(%arg11 : memref<!tpu.dma_semaphore, #tpu.memory_space<semaphore_mem>>) src(%dma_wait3A_18 : memref<10000x128xf32, #tpu.memory_space<hbm>>) dst(%arg9 : memref<128x128xf32, #tpu.memory_space<vmem>>)
      "tpu.region"() ({
        %run_scoped3A = tpu.sem_alloc : memref<!tpu.dma_semaphore, #tpu.memory_space<semaphore_mem>>
        %dma_start3A_19 = arith.constant 0 : i32
        %dma_start3A_20 = arith.constant 0 : i32
        %dma_start3A_21 = tpu.memref_slice %arg10[%dma_start3A_19, %dma_start3A_20] : memref<10112x128xf32, #tpu.memory_space<vmem_shared>> -> memref<10112x128xf32, #tpu.memory_space<vmem_shared>>
        tpu.enqueue_indirect_dma source(%arg9 : memref<128x128xf32, #tpu.memory_space<vmem>>) target(%dma_start3A_21 : memref<10112x128xf32, #tpu.memory_space<vmem_shared>>) offsets(%arg8 : memref<128xi32, #tpu.memory_space<vmem>>) semaphore(%run_scoped3A : memref<!tpu.dma_semaphore, #tpu.memory_space<semaphore_mem>>) {add = true}
        %dma_wait3A_22 = arith.constant 0 : i32
        %dma_wait3A_23 = arith.constant 0 : i32
        %dma_wait3A_24 = tpu.memref_slice %arg10[%dma_wait3A_22, %dma_wait3A_23] : memref<10112x128xf32, #tpu.memory_space<vmem_shared>> -> memref<10112x128xf32, #tpu.memory_space<vmem_shared>>
        tpu.wait_indirect_dma semaphore(%run_scoped3A : memref<!tpu.dma_semaphore, #tpu.memory_space<semaphore_mem>>) src(%arg9 : memref<128x128xf32, #tpu.memory_space<vmem>>) dst(%dma_wait3A_24 : memref<10112x128xf32, #tpu.memory_space<vmem_shared>>)
        tpu.yield
      }) : () -> ()
    }
    %scan3A_9 = arith.constant 79 : i32
    %barrier3A_10 = arith.constant 0 : index
    tpu.barrier barrier_id(%barrier3A_10)
    "tpu.region"() ({
      %run_scoped3A = tpu.sem_alloc : memref<!tpu.dma_semaphore, #tpu.memory_space<semaphore_mem>>
      %dma_start3A = arith.constant 0 : i32
      %dma_start3A_11 = tpu.memref_slice %arg6[%arg0, %mul3A_2, %dma_start3A] : memref<2x10112x128xf32, #tpu.memory_space<hbm>> -> memref<1x632x128xf32, #tpu.memory_space<hbm>>
      %dma_start3A_12 = tpu.memref_squeeze %dma_start3A_11 : memref<1x632x128xf32, #tpu.memory_space<hbm>> -> memref<632x128xf32, #tpu.memory_space<hbm>>
      %dma_start3A_13 = arith.constant 0 : i32
      %dma_start3A_14 = tpu.memref_slice %arg10[%mul3A_2, %dma_start3A_13] : memref<10112x128xf32, #tpu.memory_space<vmem_shared>> -> memref<632x128xf32, #tpu.memory_space<vmem_shared>>
      tpu.enqueue_dma source(%dma_start3A_14 : memref<632x128xf32, #tpu.memory_space<vmem_shared>>) target(%dma_start3A_12 : memref<632x128xf32, #tpu.memory_space<hbm>>) target_semaphore(%run_scoped3A : memref<!tpu.dma_semaphore, #tpu.memory_space<semaphore_mem>>)
      %dma_wait3A = arith.constant 0 : i32
      %dma_wait3A_15 = tpu.memref_slice %arg6[%arg0, %mul3A_2, %dma_wait3A] : memref<2x10112x128xf32, #tpu.memory_space<hbm>> -> memref<1x632x128xf32, #tpu.memory_space<hbm>>
      %dma_wait3A_16 = tpu.memref_squeeze %dma_wait3A_15 : memref<1x632x128xf32, #tpu.memory_space<hbm>> -> memref<632x128xf32, #tpu.memory_space<hbm>>
      %dma_wait3A_17 = arith.constant 0 : i32
      %dma_wait3A_18 = tpu.memref_slice %arg10[%mul3A_2, %dma_wait3A_17] : memref<10112x128xf32, #tpu.memory_space<vmem_shared>> -> memref<632x128xf32, #tpu.memory_space<vmem_shared>>
      tpu.wait_dma2 semaphore(%run_scoped3A : memref<!tpu.dma_semaphore, #tpu.memory_space<semaphore_mem>>) src(%dma_wait3A_18 : memref<632x128xf32, #tpu.memory_space<vmem_shared>>) dst(%dma_wait3A_16 : memref<632x128xf32, #tpu.memory_space<hbm>>)
      tpu.yield
    }) : () -> ()
    return
  }
}

#map = affine_map<(d0, d1) -> (0, 0)>
#map1 = affine_map<(d0, d1) -> (0)>
#map2 = affine_map<(d0, d1) -> (0, 0, 0)>
module attributes {stable_mosaic.version = 14 : i64} {
  func.func @seg_sum(%arg0: i32, %arg1: i32, %arg2: memref<10112x128xf32, #tpu.memory_space<hbm>>, %arg3: memref<323584xi32, #tpu.memory_space<hbm>>, %arg4: memref<323584xi32, #tpu.memory_space<hbm>>, %arg5: memref<10112x128xf32, #tpu.memory_space<hbm>>, %arg6: memref<2x10112x128xf32, #tpu.memory_space<hbm>>, %arg7: memref<128xi32, #tpu.memory_space<vmem>>, %arg8: memref<128xi32, #tpu.memory_space<vmem>>, %arg9: memref<128x128xf32, #tpu.memory_space<vmem>>, %arg10: memref<10112x128xf32, #tpu.memory_space<vmem_shared>>, %arg11: memref<!tpu.dma_semaphore, #tpu.memory_space<semaphore_mem>>) attributes {dimension_semantics = [#tpu.dimension_semantics<core_parallel>, #tpu.dimension_semantics<subcore_parallel>], iteration_bounds = array<i64: 2, 16>, scalar_prefetch = 0 : i64, scratch_operands = 5 : i64, tpu.core_type = #tpu.core_type<sc_vector_subcore>, window_params = [{transform_indices = #map}, {transform_indices = #map1}, {transform_indices = #map1}, {transform_indices = #map}, {transform_indices = #map2}]} {
    %mul3A = arith.constant 16 : i32
    %mul3A_0 = arith.muli %arg0, %mul3A : i32
    %add3A = arith.addi %mul3A_0, %arg1 : i32
    %mul3A_1 = arith.constant 632 : i32
    %mul3A_2 = arith.muli %arg1, %mul3A_1 : i32
    %mul3A_3 = arith.constant 10112 : i32
    %mul3A_4 = arith.muli %add3A, %mul3A_3 : i32
    "tpu.region"() ({
      %run_scoped3A = tpu.sem_alloc : memref<!tpu.dma_semaphore, #tpu.memory_space<semaphore_mem>>
      %dma_start3A = arith.constant 0 : i32
      %dma_start3A_11 = tpu.memref_slice %arg10[%mul3A_2, %dma_start3A] : memref<10112x128xf32, #tpu.memory_space<vmem_shared>> -> memref<632x128xf32, #tpu.memory_space<vmem_shared>>
      %dma_start3A_12 = arith.constant 0 : i32
      %dma_start3A_13 = tpu.memref_slice %arg5[%mul3A_2, %dma_start3A_12] : memref<10112x128xf32, #tpu.memory_space<hbm>> -> memref<632x128xf32, #tpu.memory_space<hbm>>
      tpu.enqueue_dma source(%dma_start3A_13 : memref<632x128xf32, #tpu.memory_space<hbm>>) target(%dma_start3A_11 : memref<632x128xf32, #tpu.memory_space<vmem_shared>>) target_semaphore(%run_scoped3A : memref<!tpu.dma_semaphore, #tpu.memory_space<semaphore_mem>>)
      %dma_wait3A = arith.constant 0 : i32
      %dma_wait3A_14 = tpu.memref_slice %arg10[%mul3A_2, %dma_wait3A] : memref<10112x128xf32, #tpu.memory_space<vmem_shared>> -> memref<632x128xf32, #tpu.memory_space<vmem_shared>>
      %dma_wait3A_15 = arith.constant 0 : i32
      %dma_wait3A_16 = tpu.memref_slice %arg5[%mul3A_2, %dma_wait3A_15] : memref<10112x128xf32, #tpu.memory_space<hbm>> -> memref<632x128xf32, #tpu.memory_space<hbm>>
      tpu.wait_dma2 semaphore(%run_scoped3A : memref<!tpu.dma_semaphore, #tpu.memory_space<semaphore_mem>>) src(%dma_wait3A_16 : memref<632x128xf32, #tpu.memory_space<hbm>>) dst(%dma_wait3A_14 : memref<632x128xf32, #tpu.memory_space<vmem_shared>>)
      tpu.yield
    }) : () -> ()
    %barrier3A = arith.constant 0 : index
    tpu.barrier barrier_id(%barrier3A)
    %scan3A = arith.constant 0 : i32
    %scan3A_5 = arith.constant 0 : i32
    %scan3A_6 = arith.constant 79 : i32
    %scan3A_7 = arith.addi %scan3A_5, %scan3A_6 : i32
    %scan3A_8 = arith.constant 1 : i32
    scf.for %scan3A_11 = %scan3A_5 to %scan3A_7 step %scan3A_8  : i32 {
      %mul3A_12 = arith.constant 128 : i32
      %mul3A_13 = arith.muli %scan3A_11, %mul3A_12 : i32
      %add3A_14 = arith.addi %mul3A_4, %mul3A_13 : i32
      "tpu.region"() ({
        %run_scoped3A = tpu.sem_alloc : memref<!tpu.dma_semaphore, #tpu.memory_space<semaphore_mem>>
        %dma_start3A_19 = tpu.memref_slice %arg3[%add3A_14] : memref<323584xi32, #tpu.memory_space<hbm>> -> memref<128xi32, #tpu.memory_space<hbm>>
        %dma_start3A_20 = tpu.memref_slice %arg3[%add3A_14] : memref<323584xi32, #tpu.memory_space<hbm>> -> memref<128xi32, #tpu.memory_space<hbm>>
        tpu.enqueue_dma source(%dma_start3A_20 : memref<128xi32, #tpu.memory_space<hbm>>) target(%arg7 : memref<128xi32, #tpu.memory_space<vmem>>) target_semaphore(%run_scoped3A : memref<!tpu.dma_semaphore, #tpu.memory_space<semaphore_mem>>)
        %dma_wait3A_21 = tpu.memref_slice %arg3[%add3A_14] : memref<323584xi32, #tpu.memory_space<hbm>> -> memref<128xi32, #tpu.memory_space<hbm>>
        %dma_wait3A_22 = tpu.memref_slice %arg3[%add3A_14] : memref<323584xi32, #tpu.memory_space<hbm>> -> memref<128xi32, #tpu.memory_space<hbm>>
        tpu.wait_dma2 semaphore(%run_scoped3A : memref<!tpu.dma_semaphore, #tpu.memory_space<semaphore_mem>>) src(%dma_wait3A_22 : memref<128xi32, #tpu.memory_space<hbm>>) dst(%arg7 : memref<128xi32, #tpu.memory_space<vmem>>)
        tpu.yield
      }) : () -> ()
      "tpu.region"() ({
        %run_scoped3A = tpu.sem_alloc : memref<!tpu.dma_semaphore, #tpu.memory_space<semaphore_mem>>
        %dma_start3A_19 = tpu.memref_slice %arg4[%add3A_14] : memref<323584xi32, #tpu.memory_space<hbm>> -> memref<128xi32, #tpu.memory_space<hbm>>
        %dma_start3A_20 = tpu.memref_slice %arg4[%add3A_14] : memref<323584xi32, #tpu.memory_space<hbm>> -> memref<128xi32, #tpu.memory_space<hbm>>
        tpu.enqueue_dma source(%dma_start3A_20 : memref<128xi32, #tpu.memory_space<hbm>>) target(%arg8 : memref<128xi32, #tpu.memory_space<vmem>>) target_semaphore(%run_scoped3A : memref<!tpu.dma_semaphore, #tpu.memory_space<semaphore_mem>>)
        %dma_wait3A_21 = tpu.memref_slice %arg4[%add3A_14] : memref<323584xi32, #tpu.memory_space<hbm>> -> memref<128xi32, #tpu.memory_space<hbm>>
        %dma_wait3A_22 = tpu.memref_slice %arg4[%add3A_14] : memref<323584xi32, #tpu.memory_space<hbm>> -> memref<128xi32, #tpu.memory_space<hbm>>
        tpu.wait_dma2 semaphore(%run_scoped3A : memref<!tpu.dma_semaphore, #tpu.memory_space<semaphore_mem>>) src(%dma_wait3A_22 : memref<128xi32, #tpu.memory_space<hbm>>) dst(%arg8 : memref<128xi32, #tpu.memory_space<vmem>>)
        tpu.yield
      }) : () -> ()
      %dma_start3A = arith.constant 0 : i32
      %dma_start3A_15 = arith.constant 0 : i32
      %dma_start3A_16 = tpu.memref_slice %arg2[%dma_start3A, %dma_start3A_15] : memref<10112x128xf32, #tpu.memory_space<hbm>> -> memref<10112x128xf32, #tpu.memory_space<hbm>>
      tpu.enqueue_indirect_dma source(%dma_start3A_16 : memref<10112x128xf32, #tpu.memory_space<hbm>>) target(%arg9 : memref<128x128xf32, #tpu.memory_space<vmem>>) offsets(%arg7 : memref<128xi32, #tpu.memory_space<vmem>>) semaphore(%arg11 : memref<!tpu.dma_semaphore, #tpu.memory_space<semaphore_mem>>)
      %dma_wait3A = arith.constant 0 : i32
      %dma_wait3A_17 = arith.constant 0 : i32
      %dma_wait3A_18 = tpu.memref_slice %arg2[%dma_wait3A, %dma_wait3A_17] : memref<10112x128xf32, #tpu.memory_space<hbm>> -> memref<10112x128xf32, #tpu.memory_space<hbm>>
      tpu.wait_indirect_dma semaphore(%arg11 : memref<!tpu.dma_semaphore, #tpu.memory_space<semaphore_mem>>) src(%dma_wait3A_18 : memref<10112x128xf32, #tpu.memory_space<hbm>>) dst(%arg9 : memref<128x128xf32, #tpu.memory_space<vmem>>)
      "tpu.region"() ({
        %run_scoped3A = tpu.sem_alloc : memref<!tpu.dma_semaphore, #tpu.memory_space<semaphore_mem>>
        %dma_start3A_19 = arith.constant 0 : i32
        %dma_start3A_20 = arith.constant 0 : i32
        %dma_start3A_21 = tpu.memref_slice %arg10[%dma_start3A_19, %dma_start3A_20] : memref<10112x128xf32, #tpu.memory_space<vmem_shared>> -> memref<10112x128xf32, #tpu.memory_space<vmem_shared>>
        tpu.enqueue_indirect_dma source(%arg9 : memref<128x128xf32, #tpu.memory_space<vmem>>) target(%dma_start3A_21 : memref<10112x128xf32, #tpu.memory_space<vmem_shared>>) offsets(%arg8 : memref<128xi32, #tpu.memory_space<vmem>>) semaphore(%run_scoped3A : memref<!tpu.dma_semaphore, #tpu.memory_space<semaphore_mem>>) {add = true}
        %dma_wait3A_22 = arith.constant 0 : i32
        %dma_wait3A_23 = arith.constant 0 : i32
        %dma_wait3A_24 = tpu.memref_slice %arg10[%dma_wait3A_22, %dma_wait3A_23] : memref<10112x128xf32, #tpu.memory_space<vmem_shared>> -> memref<10112x128xf32, #tpu.memory_space<vmem_shared>>
        tpu.wait_indirect_dma semaphore(%run_scoped3A : memref<!tpu.dma_semaphore, #tpu.memory_space<semaphore_mem>>) src(%arg9 : memref<128x128xf32, #tpu.memory_space<vmem>>) dst(%dma_wait3A_24 : memref<10112x128xf32, #tpu.memory_space<vmem_shared>>)
        tpu.yield
      }) : () -> ()
    }
    %scan3A_9 = arith.constant 79 : i32
    %barrier3A_10 = arith.constant 0 : index
    tpu.barrier barrier_id(%barrier3A_10)
    "tpu.region"() ({
      %run_scoped3A = tpu.sem_alloc : memref<!tpu.dma_semaphore, #tpu.memory_space<semaphore_mem>>
      %dma_start3A = arith.constant 0 : i32
      %dma_start3A_11 = tpu.memref_slice %arg6[%arg0, %mul3A_2, %dma_start3A] : memref<2x10112x128xf32, #tpu.memory_space<hbm>> -> memref<1x632x128xf32, #tpu.memory_space<hbm>>
      %dma_start3A_12 = tpu.memref_squeeze %dma_start3A_11 : memref<1x632x128xf32, #tpu.memory_space<hbm>> -> memref<632x128xf32, #tpu.memory_space<hbm>>
      %dma_start3A_13 = arith.constant 0 : i32
      %dma_start3A_14 = tpu.memref_slice %arg10[%mul3A_2, %dma_start3A_13] : memref<10112x128xf32, #tpu.memory_space<vmem_shared>> -> memref<632x128xf32, #tpu.memory_space<vmem_shared>>
      tpu.enqueue_dma source(%dma_start3A_14 : memref<632x128xf32, #tpu.memory_space<vmem_shared>>) target(%dma_start3A_12 : memref<632x128xf32, #tpu.memory_space<hbm>>) target_semaphore(%run_scoped3A : memref<!tpu.dma_semaphore, #tpu.memory_space<semaphore_mem>>)
      %dma_wait3A = arith.constant 0 : i32
      %dma_wait3A_15 = tpu.memref_slice %arg6[%arg0, %mul3A_2, %dma_wait3A] : memref<2x10112x128xf32, #tpu.memory_space<hbm>> -> memref<1x632x128xf32, #tpu.memory_space<hbm>>
      %dma_wait3A_16 = tpu.memref_squeeze %dma_wait3A_15 : memref<1x632x128xf32, #tpu.memory_space<hbm>> -> memref<632x128xf32, #tpu.memory_space<hbm>>
      %dma_wait3A_17 = arith.constant 0 : i32
      %dma_wait3A_18 = tpu.memref_slice %arg10[%mul3A_2, %dma_wait3A_17] : memref<10112x128xf32, #tpu.memory_space<vmem_shared>> -> memref<632x128xf32, #tpu.memory_space<vmem_shared>>
      tpu.wait_dma2 semaphore(%run_scoped3A : memref<!tpu.dma_semaphore, #tpu.memory_space<semaphore_mem>>) src(%dma_wait3A_18 : memref<632x128xf32, #tpu.memory_space<vmem_shared>>) dst(%dma_wait3A_16 : memref<632x128xf32, #tpu.memory_space<hbm>>)
      tpu.yield
    }) : () -> ()
    return
  }
}

#map = affine_map<(d0, d1) -> (0, 0)>
#map1 = affine_map<(d0, d1) -> (0)>
#map2 = affine_map<(d0, d1) -> (0, 0, 0)>
module attributes {stable_mosaic.version = 14 : i64} {
  func.func @seg_sum(%arg0: i32, %arg1: i32, %arg2: memref<10112x128xf32, #tpu.memory_space<hbm>>, %arg3: memref<323584xi32, #tpu.memory_space<hbm>>, %arg4: memref<323584xi32, #tpu.memory_space<hbm>>, %arg5: memref<10112x128xf32, #tpu.memory_space<hbm>>, %arg6: memref<2x10112x128xf32, #tpu.memory_space<hbm>>, %arg7: memref<128xi32, #tpu.memory_space<vmem>>, %arg8: memref<128xi32, #tpu.memory_space<vmem>>, %arg9: memref<128x128xf32, #tpu.memory_space<vmem>>, %arg10: memref<10112x128xf32, #tpu.memory_space<vmem_shared>>, %arg11: memref<!tpu.dma_semaphore, #tpu.memory_space<semaphore_mem>>) attributes {dimension_semantics = [#tpu.dimension_semantics<core_parallel>, #tpu.dimension_semantics<subcore_parallel>], iteration_bounds = array<i64: 2, 16>, scalar_prefetch = 0 : i64, scratch_operands = 5 : i64, tpu.core_type = #tpu.core_type<sc_vector_subcore>, window_params = [{transform_indices = #map}, {transform_indices = #map1}, {transform_indices = #map1}, {transform_indices = #map}, {transform_indices = #map2}]} {
    %mul3A = arith.constant 16 : i32
    %mul3A_0 = arith.muli %arg0, %mul3A : i32
    %add3A = arith.addi %mul3A_0, %arg1 : i32
    %mul3A_1 = arith.constant 632 : i32
    %mul3A_2 = arith.muli %arg1, %mul3A_1 : i32
    %mul3A_3 = arith.constant 10112 : i32
    %mul3A_4 = arith.muli %add3A, %mul3A_3 : i32
    "tpu.region"() ({
      %run_scoped3A = tpu.sem_alloc : memref<!tpu.dma_semaphore, #tpu.memory_space<semaphore_mem>>
      %dma_start3A = arith.constant 0 : i32
      %dma_start3A_11 = tpu.memref_slice %arg10[%mul3A_2, %dma_start3A] : memref<10112x128xf32, #tpu.memory_space<vmem_shared>> -> memref<632x128xf32, #tpu.memory_space<vmem_shared>>
      %dma_start3A_12 = arith.constant 0 : i32
      %dma_start3A_13 = tpu.memref_slice %arg5[%mul3A_2, %dma_start3A_12] : memref<10112x128xf32, #tpu.memory_space<hbm>> -> memref<632x128xf32, #tpu.memory_space<hbm>>
      tpu.enqueue_dma source(%dma_start3A_13 : memref<632x128xf32, #tpu.memory_space<hbm>>) target(%dma_start3A_11 : memref<632x128xf32, #tpu.memory_space<vmem_shared>>) target_semaphore(%run_scoped3A : memref<!tpu.dma_semaphore, #tpu.memory_space<semaphore_mem>>)
      %dma_wait3A = arith.constant 0 : i32
      %dma_wait3A_14 = tpu.memref_slice %arg10[%mul3A_2, %dma_wait3A] : memref<10112x128xf32, #tpu.memory_space<vmem_shared>> -> memref<632x128xf32, #tpu.memory_space<vmem_shared>>
      %dma_wait3A_15 = arith.constant 0 : i32
      %dma_wait3A_16 = tpu.memref_slice %arg5[%mul3A_2, %dma_wait3A_15] : memref<10112x128xf32, #tpu.memory_space<hbm>> -> memref<632x128xf32, #tpu.memory_space<hbm>>
      tpu.wait_dma2 semaphore(%run_scoped3A : memref<!tpu.dma_semaphore, #tpu.memory_space<semaphore_mem>>) src(%dma_wait3A_16 : memref<632x128xf32, #tpu.memory_space<hbm>>) dst(%dma_wait3A_14 : memref<632x128xf32, #tpu.memory_space<vmem_shared>>)
      tpu.yield
    }) : () -> ()
    %barrier3A = arith.constant 0 : index
    tpu.barrier barrier_id(%barrier3A)
    %scan3A = arith.constant 0 : i32
    %scan3A_5 = arith.constant 0 : i32
    %scan3A_6 = arith.constant 79 : i32
    %scan3A_7 = arith.addi %scan3A_5, %scan3A_6 : i32
    %scan3A_8 = arith.constant 1 : i32
    scf.for %scan3A_11 = %scan3A_5 to %scan3A_7 step %scan3A_8  : i32 {
      %mul3A_12 = arith.constant 128 : i32
      %mul3A_13 = arith.muli %scan3A_11, %mul3A_12 : i32
      %add3A_14 = arith.addi %mul3A_4, %mul3A_13 : i32
      "tpu.region"() ({
        %run_scoped3A = tpu.sem_alloc : memref<!tpu.dma_semaphore, #tpu.memory_space<semaphore_mem>>
        %dma_start3A_19 = tpu.memref_slice %arg3[%add3A_14] : memref<323584xi32, #tpu.memory_space<hbm>> -> memref<128xi32, #tpu.memory_space<hbm>>
        %dma_start3A_20 = tpu.memref_slice %arg3[%add3A_14] : memref<323584xi32, #tpu.memory_space<hbm>> -> memref<128xi32, #tpu.memory_space<hbm>>
        tpu.enqueue_dma source(%dma_start3A_20 : memref<128xi32, #tpu.memory_space<hbm>>) target(%arg7 : memref<128xi32, #tpu.memory_space<vmem>>) target_semaphore(%run_scoped3A : memref<!tpu.dma_semaphore, #tpu.memory_space<semaphore_mem>>)
        %dma_wait3A_21 = tpu.memref_slice %arg3[%add3A_14] : memref<323584xi32, #tpu.memory_space<hbm>> -> memref<128xi32, #tpu.memory_space<hbm>>
        %dma_wait3A_22 = tpu.memref_slice %arg3[%add3A_14] : memref<323584xi32, #tpu.memory_space<hbm>> -> memref<128xi32, #tpu.memory_space<hbm>>
        tpu.wait_dma2 semaphore(%run_scoped3A : memref<!tpu.dma_semaphore, #tpu.memory_space<semaphore_mem>>) src(%dma_wait3A_22 : memref<128xi32, #tpu.memory_space<hbm>>) dst(%arg7 : memref<128xi32, #tpu.memory_space<vmem>>)
        tpu.yield
      }) : () -> ()
      "tpu.region"() ({
        %run_scoped3A = tpu.sem_alloc : memref<!tpu.dma_semaphore, #tpu.memory_space<semaphore_mem>>
        %dma_start3A_19 = tpu.memref_slice %arg4[%add3A_14] : memref<323584xi32, #tpu.memory_space<hbm>> -> memref<128xi32, #tpu.memory_space<hbm>>
        %dma_start3A_20 = tpu.memref_slice %arg4[%add3A_14] : memref<323584xi32, #tpu.memory_space<hbm>> -> memref<128xi32, #tpu.memory_space<hbm>>
        tpu.enqueue_dma source(%dma_start3A_20 : memref<128xi32, #tpu.memory_space<hbm>>) target(%arg8 : memref<128xi32, #tpu.memory_space<vmem>>) target_semaphore(%run_scoped3A : memref<!tpu.dma_semaphore, #tpu.memory_space<semaphore_mem>>)
        %dma_wait3A_21 = tpu.memref_slice %arg4[%add3A_14] : memref<323584xi32, #tpu.memory_space<hbm>> -> memref<128xi32, #tpu.memory_space<hbm>>
        %dma_wait3A_22 = tpu.memref_slice %arg4[%add3A_14] : memref<323584xi32, #tpu.memory_space<hbm>> -> memref<128xi32, #tpu.memory_space<hbm>>
        tpu.wait_dma2 semaphore(%run_scoped3A : memref<!tpu.dma_semaphore, #tpu.memory_space<semaphore_mem>>) src(%dma_wait3A_22 : memref<128xi32, #tpu.memory_space<hbm>>) dst(%arg8 : memref<128xi32, #tpu.memory_space<vmem>>)
        tpu.yield
      }) : () -> ()
      %dma_start3A = arith.constant 0 : i32
      %dma_start3A_15 = arith.constant 0 : i32
      %dma_start3A_16 = tpu.memref_slice %arg2[%dma_start3A, %dma_start3A_15] : memref<10112x128xf32, #tpu.memory_space<hbm>> -> memref<10112x128xf32, #tpu.memory_space<hbm>>
      tpu.enqueue_indirect_dma source(%dma_start3A_16 : memref<10112x128xf32, #tpu.memory_space<hbm>>) target(%arg9 : memref<128x128xf32, #tpu.memory_space<vmem>>) offsets(%arg7 : memref<128xi32, #tpu.memory_space<vmem>>) semaphore(%arg11 : memref<!tpu.dma_semaphore, #tpu.memory_space<semaphore_mem>>)
      %dma_wait3A = arith.constant 0 : i32
      %dma_wait3A_17 = arith.constant 0 : i32
      %dma_wait3A_18 = tpu.memref_slice %arg2[%dma_wait3A, %dma_wait3A_17] : memref<10112x128xf32, #tpu.memory_space<hbm>> -> memref<10112x128xf32, #tpu.memory_space<hbm>>
      tpu.wait_indirect_dma semaphore(%arg11 : memref<!tpu.dma_semaphore, #tpu.memory_space<semaphore_mem>>) src(%dma_wait3A_18 : memref<10112x128xf32, #tpu.memory_space<hbm>>) dst(%arg9 : memref<128x128xf32, #tpu.memory_space<vmem>>)
      "tpu.region"() ({
        %run_scoped3A = tpu.sem_alloc : memref<!tpu.dma_semaphore, #tpu.memory_space<semaphore_mem>>
        %dma_start3A_19 = arith.constant 0 : i32
        %dma_start3A_20 = arith.constant 0 : i32
        %dma_start3A_21 = tpu.memref_slice %arg10[%dma_start3A_19, %dma_start3A_20] : memref<10112x128xf32, #tpu.memory_space<vmem_shared>> -> memref<10112x128xf32, #tpu.memory_space<vmem_shared>>
        tpu.enqueue_indirect_dma source(%arg9 : memref<128x128xf32, #tpu.memory_space<vmem>>) target(%dma_start3A_21 : memref<10112x128xf32, #tpu.memory_space<vmem_shared>>) offsets(%arg8 : memref<128xi32, #tpu.memory_space<vmem>>) semaphore(%run_scoped3A : memref<!tpu.dma_semaphore, #tpu.memory_space<semaphore_mem>>) {add = true}
        %dma_wait3A_22 = arith.constant 0 : i32
        %dma_wait3A_23 = arith.constant 0 : i32
        %dma_wait3A_24 = tpu.memref_slice %arg10[%dma_wait3A_22, %dma_wait3A_23] : memref<10112x128xf32, #tpu.memory_space<vmem_shared>> -> memref<10112x128xf32, #tpu.memory_space<vmem_shared>>
        tpu.wait_indirect_dma semaphore(%run_scoped3A : memref<!tpu.dma_semaphore, #tpu.memory_space<semaphore_mem>>) src(%arg9 : memref<128x128xf32, #tpu.memory_space<vmem>>) dst(%dma_wait3A_24 : memref<10112x128xf32, #tpu.memory_space<vmem_shared>>)
        tpu.yield
      }) : () -> ()
    }
    %scan3A_9 = arith.constant 79 : i32
    %barrier3A_10 = arith.constant 0 : index
    tpu.barrier barrier_id(%barrier3A_10)
    "tpu.region"() ({
      %run_scoped3A = tpu.sem_alloc : memref<!tpu.dma_semaphore, #tpu.memory_space<semaphore_mem>>
      %dma_start3A = arith.constant 0 : i32
      %dma_start3A_11 = tpu.memref_slice %arg6[%arg0, %mul3A_2, %dma_start3A] : memref<2x10112x128xf32, #tpu.memory_space<hbm>> -> memref<1x632x128xf32, #tpu.memory_space<hbm>>
      %dma_start3A_12 = tpu.memref_squeeze %dma_start3A_11 : memref<1x632x128xf32, #tpu.memory_space<hbm>> -> memref<632x128xf32, #tpu.memory_space<hbm>>
      %dma_start3A_13 = arith.constant 0 : i32
      %dma_start3A_14 = tpu.memref_slice %arg10[%mul3A_2, %dma_start3A_13] : memref<10112x128xf32, #tpu.memory_space<vmem_shared>> -> memref<632x128xf32, #tpu.memory_space<vmem_shared>>
      tpu.enqueue_dma source(%dma_start3A_14 : memref<632x128xf32, #tpu.memory_space<vmem_shared>>) target(%dma_start3A_12 : memref<632x128xf32, #tpu.memory_space<hbm>>) target_semaphore(%run_scoped3A : memref<!tpu.dma_semaphore, #tpu.memory_space<semaphore_mem>>)
      %dma_wait3A = arith.constant 0 : i32
      %dma_wait3A_15 = tpu.memref_slice %arg6[%arg0, %mul3A_2, %dma_wait3A] : memref<2x10112x128xf32, #tpu.memory_space<hbm>> -> memref<1x632x128xf32, #tpu.memory_space<hbm>>
      %dma_wait3A_16 = tpu.memref_squeeze %dma_wait3A_15 : memref<1x632x128xf32, #tpu.memory_space<hbm>> -> memref<632x128xf32, #tpu.memory_space<hbm>>
      %dma_wait3A_17 = arith.constant 0 : i32
      %dma_wait3A_18 = tpu.memref_slice %arg10[%mul3A_2, %dma_wait3A_17] : memref<10112x128xf32, #tpu.memory_space<vmem_shared>> -> memref<632x128xf32, #tpu.memory_space<vmem_shared>>
      tpu.wait_dma2 semaphore(%run_scoped3A : memref<!tpu.dma_semaphore, #tpu.memory_space<semaphore_mem>>) src(%dma_wait3A_18 : memref<632x128xf32, #tpu.memory_space<vmem_shared>>) dst(%dma_wait3A_16 : memref<632x128xf32, #tpu.memory_space<hbm>>)
      tpu.yield
    }) : () -> ()
    return
  }
}

#map = affine_map<(d0, d1) -> (0, 0)>
#map1 = affine_map<(d0, d1) -> (0)>
#map2 = affine_map<(d0, d1) -> (0, 0, 0)>
module attributes {stable_mosaic.version = 14 : i64} {
  func.func @seg_sum(%arg0: i32, %arg1: i32, %arg2: memref<10112x128xf32, #tpu.memory_space<hbm>>, %arg3: memref<323584xi32, #tpu.memory_space<hbm>>, %arg4: memref<323584xi32, #tpu.memory_space<hbm>>, %arg5: memref<10112x128xf32, #tpu.memory_space<hbm>>, %arg6: memref<2x10112x128xf32, #tpu.memory_space<hbm>>, %arg7: memref<128xi32, #tpu.memory_space<vmem>>, %arg8: memref<128xi32, #tpu.memory_space<vmem>>, %arg9: memref<128x128xf32, #tpu.memory_space<vmem>>, %arg10: memref<10112x128xf32, #tpu.memory_space<vmem_shared>>, %arg11: memref<!tpu.dma_semaphore, #tpu.memory_space<semaphore_mem>>) attributes {dimension_semantics = [#tpu.dimension_semantics<core_parallel>, #tpu.dimension_semantics<subcore_parallel>], iteration_bounds = array<i64: 2, 16>, scalar_prefetch = 0 : i64, scratch_operands = 5 : i64, tpu.core_type = #tpu.core_type<sc_vector_subcore>, window_params = [{transform_indices = #map}, {transform_indices = #map1}, {transform_indices = #map1}, {transform_indices = #map}, {transform_indices = #map2}]} {
    %mul3A = arith.constant 16 : i32
    %mul3A_0 = arith.muli %arg0, %mul3A : i32
    %add3A = arith.addi %mul3A_0, %arg1 : i32
    %mul3A_1 = arith.constant 632 : i32
    %mul3A_2 = arith.muli %arg1, %mul3A_1 : i32
    %mul3A_3 = arith.constant 10112 : i32
    %mul3A_4 = arith.muli %add3A, %mul3A_3 : i32
    "tpu.region"() ({
      %run_scoped3A = tpu.sem_alloc : memref<!tpu.dma_semaphore, #tpu.memory_space<semaphore_mem>>
      %dma_start3A = arith.constant 0 : i32
      %dma_start3A_11 = tpu.memref_slice %arg10[%mul3A_2, %dma_start3A] : memref<10112x128xf32, #tpu.memory_space<vmem_shared>> -> memref<632x128xf32, #tpu.memory_space<vmem_shared>>
      %dma_start3A_12 = arith.constant 0 : i32
      %dma_start3A_13 = tpu.memref_slice %arg5[%mul3A_2, %dma_start3A_12] : memref<10112x128xf32, #tpu.memory_space<hbm>> -> memref<632x128xf32, #tpu.memory_space<hbm>>
      tpu.enqueue_dma source(%dma_start3A_13 : memref<632x128xf32, #tpu.memory_space<hbm>>) target(%dma_start3A_11 : memref<632x128xf32, #tpu.memory_space<vmem_shared>>) target_semaphore(%run_scoped3A : memref<!tpu.dma_semaphore, #tpu.memory_space<semaphore_mem>>)
      %dma_wait3A = arith.constant 0 : i32
      %dma_wait3A_14 = tpu.memref_slice %arg10[%mul3A_2, %dma_wait3A] : memref<10112x128xf32, #tpu.memory_space<vmem_shared>> -> memref<632x128xf32, #tpu.memory_space<vmem_shared>>
      %dma_wait3A_15 = arith.constant 0 : i32
      %dma_wait3A_16 = tpu.memref_slice %arg5[%mul3A_2, %dma_wait3A_15] : memref<10112x128xf32, #tpu.memory_space<hbm>> -> memref<632x128xf32, #tpu.memory_space<hbm>>
      tpu.wait_dma2 semaphore(%run_scoped3A : memref<!tpu.dma_semaphore, #tpu.memory_space<semaphore_mem>>) src(%dma_wait3A_16 : memref<632x128xf32, #tpu.memory_space<hbm>>) dst(%dma_wait3A_14 : memref<632x128xf32, #tpu.memory_space<vmem_shared>>)
      tpu.yield
    }) : () -> ()
    %barrier3A = arith.constant 0 : index
    tpu.barrier barrier_id(%barrier3A)
    %scan3A = arith.constant 0 : i32
    %scan3A_5 = arith.constant 0 : i32
    %scan3A_6 = arith.constant 79 : i32
    %scan3A_7 = arith.addi %scan3A_5, %scan3A_6 : i32
    %scan3A_8 = arith.constant 1 : i32
    scf.for %scan3A_11 = %scan3A_5 to %scan3A_7 step %scan3A_8  : i32 {
      %mul3A_12 = arith.constant 128 : i32
      %mul3A_13 = arith.muli %scan3A_11, %mul3A_12 : i32
      %add3A_14 = arith.addi %mul3A_4, %mul3A_13 : i32
      "tpu.region"() ({
        %run_scoped3A = tpu.sem_alloc : memref<!tpu.dma_semaphore, #tpu.memory_space<semaphore_mem>>
        %dma_start3A_19 = tpu.memref_slice %arg3[%add3A_14] : memref<323584xi32, #tpu.memory_space<hbm>> -> memref<128xi32, #tpu.memory_space<hbm>>
        %dma_start3A_20 = tpu.memref_slice %arg3[%add3A_14] : memref<323584xi32, #tpu.memory_space<hbm>> -> memref<128xi32, #tpu.memory_space<hbm>>
        tpu.enqueue_dma source(%dma_start3A_20 : memref<128xi32, #tpu.memory_space<hbm>>) target(%arg7 : memref<128xi32, #tpu.memory_space<vmem>>) target_semaphore(%run_scoped3A : memref<!tpu.dma_semaphore, #tpu.memory_space<semaphore_mem>>)
        %dma_wait3A_21 = tpu.memref_slice %arg3[%add3A_14] : memref<323584xi32, #tpu.memory_space<hbm>> -> memref<128xi32, #tpu.memory_space<hbm>>
        %dma_wait3A_22 = tpu.memref_slice %arg3[%add3A_14] : memref<323584xi32, #tpu.memory_space<hbm>> -> memref<128xi32, #tpu.memory_space<hbm>>
        tpu.wait_dma2 semaphore(%run_scoped3A : memref<!tpu.dma_semaphore, #tpu.memory_space<semaphore_mem>>) src(%dma_wait3A_22 : memref<128xi32, #tpu.memory_space<hbm>>) dst(%arg7 : memref<128xi32, #tpu.memory_space<vmem>>)
        tpu.yield
      }) : () -> ()
      "tpu.region"() ({
        %run_scoped3A = tpu.sem_alloc : memref<!tpu.dma_semaphore, #tpu.memory_space<semaphore_mem>>
        %dma_start3A_19 = tpu.memref_slice %arg4[%add3A_14] : memref<323584xi32, #tpu.memory_space<hbm>> -> memref<128xi32, #tpu.memory_space<hbm>>
        %dma_start3A_20 = tpu.memref_slice %arg4[%add3A_14] : memref<323584xi32, #tpu.memory_space<hbm>> -> memref<128xi32, #tpu.memory_space<hbm>>
        tpu.enqueue_dma source(%dma_start3A_20 : memref<128xi32, #tpu.memory_space<hbm>>) target(%arg8 : memref<128xi32, #tpu.memory_space<vmem>>) target_semaphore(%run_scoped3A : memref<!tpu.dma_semaphore, #tpu.memory_space<semaphore_mem>>)
        %dma_wait3A_21 = tpu.memref_slice %arg4[%add3A_14] : memref<323584xi32, #tpu.memory_space<hbm>> -> memref<128xi32, #tpu.memory_space<hbm>>
        %dma_wait3A_22 = tpu.memref_slice %arg4[%add3A_14] : memref<323584xi32, #tpu.memory_space<hbm>> -> memref<128xi32, #tpu.memory_space<hbm>>
        tpu.wait_dma2 semaphore(%run_scoped3A : memref<!tpu.dma_semaphore, #tpu.memory_space<semaphore_mem>>) src(%dma_wait3A_22 : memref<128xi32, #tpu.memory_space<hbm>>) dst(%arg8 : memref<128xi32, #tpu.memory_space<vmem>>)
        tpu.yield
      }) : () -> ()
      %dma_start3A = arith.constant 0 : i32
      %dma_start3A_15 = arith.constant 0 : i32
      %dma_start3A_16 = tpu.memref_slice %arg2[%dma_start3A, %dma_start3A_15] : memref<10112x128xf32, #tpu.memory_space<hbm>> -> memref<10112x128xf32, #tpu.memory_space<hbm>>
      tpu.enqueue_indirect_dma source(%dma_start3A_16 : memref<10112x128xf32, #tpu.memory_space<hbm>>) target(%arg9 : memref<128x128xf32, #tpu.memory_space<vmem>>) offsets(%arg7 : memref<128xi32, #tpu.memory_space<vmem>>) semaphore(%arg11 : memref<!tpu.dma_semaphore, #tpu.memory_space<semaphore_mem>>)
      %dma_wait3A = arith.constant 0 : i32
      %dma_wait3A_17 = arith.constant 0 : i32
      %dma_wait3A_18 = tpu.memref_slice %arg2[%dma_wait3A, %dma_wait3A_17] : memref<10112x128xf32, #tpu.memory_space<hbm>> -> memref<10112x128xf32, #tpu.memory_space<hbm>>
      tpu.wait_indirect_dma semaphore(%arg11 : memref<!tpu.dma_semaphore, #tpu.memory_space<semaphore_mem>>) src(%dma_wait3A_18 : memref<10112x128xf32, #tpu.memory_space<hbm>>) dst(%arg9 : memref<128x128xf32, #tpu.memory_space<vmem>>)
      "tpu.region"() ({
        %run_scoped3A = tpu.sem_alloc : memref<!tpu.dma_semaphore, #tpu.memory_space<semaphore_mem>>
        %dma_start3A_19 = arith.constant 0 : i32
        %dma_start3A_20 = arith.constant 0 : i32
        %dma_start3A_21 = tpu.memref_slice %arg10[%dma_start3A_19, %dma_start3A_20] : memref<10112x128xf32, #tpu.memory_space<vmem_shared>> -> memref<10112x128xf32, #tpu.memory_space<vmem_shared>>
        tpu.enqueue_indirect_dma source(%arg9 : memref<128x128xf32, #tpu.memory_space<vmem>>) target(%dma_start3A_21 : memref<10112x128xf32, #tpu.memory_space<vmem_shared>>) offsets(%arg8 : memref<128xi32, #tpu.memory_space<vmem>>) semaphore(%run_scoped3A : memref<!tpu.dma_semaphore, #tpu.memory_space<semaphore_mem>>) {add = true}
        %dma_wait3A_22 = arith.constant 0 : i32
        %dma_wait3A_23 = arith.constant 0 : i32
        %dma_wait3A_24 = tpu.memref_slice %arg10[%dma_wait3A_22, %dma_wait3A_23] : memref<10112x128xf32, #tpu.memory_space<vmem_shared>> -> memref<10112x128xf32, #tpu.memory_space<vmem_shared>>
        tpu.wait_indirect_dma semaphore(%run_scoped3A : memref<!tpu.dma_semaphore, #tpu.memory_space<semaphore_mem>>) src(%arg9 : memref<128x128xf32, #tpu.memory_space<vmem>>) dst(%dma_wait3A_24 : memref<10112x128xf32, #tpu.memory_space<vmem_shared>>)
        tpu.yield
      }) : () -> ()
    }
    %scan3A_9 = arith.constant 79 : i32
    %barrier3A_10 = arith.constant 0 : index
    tpu.barrier barrier_id(%barrier3A_10)
    "tpu.region"() ({
      %run_scoped3A = tpu.sem_alloc : memref<!tpu.dma_semaphore, #tpu.memory_space<semaphore_mem>>
      %dma_start3A = arith.constant 0 : i32
      %dma_start3A_11 = tpu.memref_slice %arg6[%arg0, %mul3A_2, %dma_start3A] : memref<2x10112x128xf32, #tpu.memory_space<hbm>> -> memref<1x632x128xf32, #tpu.memory_space<hbm>>
      %dma_start3A_12 = tpu.memref_squeeze %dma_start3A_11 : memref<1x632x128xf32, #tpu.memory_space<hbm>> -> memref<632x128xf32, #tpu.memory_space<hbm>>
      %dma_start3A_13 = arith.constant 0 : i32
      %dma_start3A_14 = tpu.memref_slice %arg10[%mul3A_2, %dma_start3A_13] : memref<10112x128xf32, #tpu.memory_space<vmem_shared>> -> memref<632x128xf32, #tpu.memory_space<vmem_shared>>
      tpu.enqueue_dma source(%dma_start3A_14 : memref<632x128xf32, #tpu.memory_space<vmem_shared>>) target(%dma_start3A_12 : memref<632x128xf32, #tpu.memory_space<hbm>>) target_semaphore(%run_scoped3A : memref<!tpu.dma_semaphore, #tpu.memory_space<semaphore_mem>>)
      %dma_wait3A = arith.constant 0 : i32
      %dma_wait3A_15 = tpu.memref_slice %arg6[%arg0, %mul3A_2, %dma_wait3A] : memref<2x10112x128xf32, #tpu.memory_space<hbm>> -> memref<1x632x128xf32, #tpu.memory_space<hbm>>
      %dma_wait3A_16 = tpu.memref_squeeze %dma_wait3A_15 : memref<1x632x128xf32, #tpu.memory_space<hbm>> -> memref<632x128xf32, #tpu.memory_space<hbm>>
      %dma_wait3A_17 = arith.constant 0 : i32
      %dma_wait3A_18 = tpu.memref_slice %arg10[%mul3A_2, %dma_wait3A_17] : memref<10112x128xf32, #tpu.memory_space<vmem_shared>> -> memref<632x128xf32, #tpu.memory_space<vmem_shared>>
      tpu.wait_dma2 semaphore(%run_scoped3A : memref<!tpu.dma_semaphore, #tpu.memory_space<semaphore_mem>>) src(%dma_wait3A_18 : memref<632x128xf32, #tpu.memory_space<vmem_shared>>) dst(%dma_wait3A_16 : memref<632x128xf32, #tpu.memory_space<hbm>>)
      tpu.yield
    }) : () -> ()
    return
  }
}

#map = affine_map<(d0, d1) -> (0, 0)>
#map1 = affine_map<(d0, d1) -> (0)>
#map2 = affine_map<(d0, d1) -> (0, 0, 0)>
module attributes {stable_mosaic.version = 14 : i64} {
  func.func @seg_sum(%arg0: i32, %arg1: i32, %arg2: memref<10112x128xf32, #tpu.memory_space<hbm>>, %arg3: memref<323584xi32, #tpu.memory_space<hbm>>, %arg4: memref<323584xi32, #tpu.memory_space<hbm>>, %arg5: memref<10112x128xf32, #tpu.memory_space<hbm>>, %arg6: memref<2x10112x128xf32, #tpu.memory_space<hbm>>, %arg7: memref<128xi32, #tpu.memory_space<vmem>>, %arg8: memref<128xi32, #tpu.memory_space<vmem>>, %arg9: memref<128x128xf32, #tpu.memory_space<vmem>>, %arg10: memref<10112x128xf32, #tpu.memory_space<vmem_shared>>, %arg11: memref<!tpu.dma_semaphore, #tpu.memory_space<semaphore_mem>>) attributes {dimension_semantics = [#tpu.dimension_semantics<core_parallel>, #tpu.dimension_semantics<subcore_parallel>], iteration_bounds = array<i64: 2, 16>, scalar_prefetch = 0 : i64, scratch_operands = 5 : i64, tpu.core_type = #tpu.core_type<sc_vector_subcore>, window_params = [{transform_indices = #map}, {transform_indices = #map1}, {transform_indices = #map1}, {transform_indices = #map}, {transform_indices = #map2}]} {
    %mul3A = arith.constant 16 : i32
    %mul3A_0 = arith.muli %arg0, %mul3A : i32
    %add3A = arith.addi %mul3A_0, %arg1 : i32
    %mul3A_1 = arith.constant 632 : i32
    %mul3A_2 = arith.muli %arg1, %mul3A_1 : i32
    %mul3A_3 = arith.constant 10112 : i32
    %mul3A_4 = arith.muli %add3A, %mul3A_3 : i32
    "tpu.region"() ({
      %run_scoped3A = tpu.sem_alloc : memref<!tpu.dma_semaphore, #tpu.memory_space<semaphore_mem>>
      %dma_start3A = arith.constant 0 : i32
      %dma_start3A_11 = tpu.memref_slice %arg10[%mul3A_2, %dma_start3A] : memref<10112x128xf32, #tpu.memory_space<vmem_shared>> -> memref<632x128xf32, #tpu.memory_space<vmem_shared>>
      %dma_start3A_12 = arith.constant 0 : i32
      %dma_start3A_13 = tpu.memref_slice %arg5[%mul3A_2, %dma_start3A_12] : memref<10112x128xf32, #tpu.memory_space<hbm>> -> memref<632x128xf32, #tpu.memory_space<hbm>>
      tpu.enqueue_dma source(%dma_start3A_13 : memref<632x128xf32, #tpu.memory_space<hbm>>) target(%dma_start3A_11 : memref<632x128xf32, #tpu.memory_space<vmem_shared>>) target_semaphore(%run_scoped3A : memref<!tpu.dma_semaphore, #tpu.memory_space<semaphore_mem>>)
      %dma_wait3A = arith.constant 0 : i32
      %dma_wait3A_14 = tpu.memref_slice %arg10[%mul3A_2, %dma_wait3A] : memref<10112x128xf32, #tpu.memory_space<vmem_shared>> -> memref<632x128xf32, #tpu.memory_space<vmem_shared>>
      %dma_wait3A_15 = arith.constant 0 : i32
      %dma_wait3A_16 = tpu.memref_slice %arg5[%mul3A_2, %dma_wait3A_15] : memref<10112x128xf32, #tpu.memory_space<hbm>> -> memref<632x128xf32, #tpu.memory_space<hbm>>
      tpu.wait_dma2 semaphore(%run_scoped3A : memref<!tpu.dma_semaphore, #tpu.memory_space<semaphore_mem>>) src(%dma_wait3A_16 : memref<632x128xf32, #tpu.memory_space<hbm>>) dst(%dma_wait3A_14 : memref<632x128xf32, #tpu.memory_space<vmem_shared>>)
      tpu.yield
    }) : () -> ()
    %barrier3A = arith.constant 0 : index
    tpu.barrier barrier_id(%barrier3A)
    %scan3A = arith.constant 0 : i32
    %scan3A_5 = arith.constant 0 : i32
    %scan3A_6 = arith.constant 79 : i32
    %scan3A_7 = arith.addi %scan3A_5, %scan3A_6 : i32
    %scan3A_8 = arith.constant 1 : i32
    scf.for %scan3A_11 = %scan3A_5 to %scan3A_7 step %scan3A_8  : i32 {
      %mul3A_12 = arith.constant 128 : i32
      %mul3A_13 = arith.muli %scan3A_11, %mul3A_12 : i32
      %add3A_14 = arith.addi %mul3A_4, %mul3A_13 : i32
      "tpu.region"() ({
        %run_scoped3A = tpu.sem_alloc : memref<!tpu.dma_semaphore, #tpu.memory_space<semaphore_mem>>
        %dma_start3A_19 = tpu.memref_slice %arg3[%add3A_14] : memref<323584xi32, #tpu.memory_space<hbm>> -> memref<128xi32, #tpu.memory_space<hbm>>
        %dma_start3A_20 = tpu.memref_slice %arg3[%add3A_14] : memref<323584xi32, #tpu.memory_space<hbm>> -> memref<128xi32, #tpu.memory_space<hbm>>
        tpu.enqueue_dma source(%dma_start3A_20 : memref<128xi32, #tpu.memory_space<hbm>>) target(%arg7 : memref<128xi32, #tpu.memory_space<vmem>>) target_semaphore(%run_scoped3A : memref<!tpu.dma_semaphore, #tpu.memory_space<semaphore_mem>>)
        %dma_wait3A_21 = tpu.memref_slice %arg3[%add3A_14] : memref<323584xi32, #tpu.memory_space<hbm>> -> memref<128xi32, #tpu.memory_space<hbm>>
        %dma_wait3A_22 = tpu.memref_slice %arg3[%add3A_14] : memref<323584xi32, #tpu.memory_space<hbm>> -> memref<128xi32, #tpu.memory_space<hbm>>
        tpu.wait_dma2 semaphore(%run_scoped3A : memref<!tpu.dma_semaphore, #tpu.memory_space<semaphore_mem>>) src(%dma_wait3A_22 : memref<128xi32, #tpu.memory_space<hbm>>) dst(%arg7 : memref<128xi32, #tpu.memory_space<vmem>>)
        tpu.yield
      }) : () -> ()
      "tpu.region"() ({
        %run_scoped3A = tpu.sem_alloc : memref<!tpu.dma_semaphore, #tpu.memory_space<semaphore_mem>>
        %dma_start3A_19 = tpu.memref_slice %arg4[%add3A_14] : memref<323584xi32, #tpu.memory_space<hbm>> -> memref<128xi32, #tpu.memory_space<hbm>>
        %dma_start3A_20 = tpu.memref_slice %arg4[%add3A_14] : memref<323584xi32, #tpu.memory_space<hbm>> -> memref<128xi32, #tpu.memory_space<hbm>>
        tpu.enqueue_dma source(%dma_start3A_20 : memref<128xi32, #tpu.memory_space<hbm>>) target(%arg8 : memref<128xi32, #tpu.memory_space<vmem>>) target_semaphore(%run_scoped3A : memref<!tpu.dma_semaphore, #tpu.memory_space<semaphore_mem>>)
        %dma_wait3A_21 = tpu.memref_slice %arg4[%add3A_14] : memref<323584xi32, #tpu.memory_space<hbm>> -> memref<128xi32, #tpu.memory_space<hbm>>
        %dma_wait3A_22 = tpu.memref_slice %arg4[%add3A_14] : memref<323584xi32, #tpu.memory_space<hbm>> -> memref<128xi32, #tpu.memory_space<hbm>>
        tpu.wait_dma2 semaphore(%run_scoped3A : memref<!tpu.dma_semaphore, #tpu.memory_space<semaphore_mem>>) src(%dma_wait3A_22 : memref<128xi32, #tpu.memory_space<hbm>>) dst(%arg8 : memref<128xi32, #tpu.memory_space<vmem>>)
        tpu.yield
      }) : () -> ()
      %dma_start3A = arith.constant 0 : i32
      %dma_start3A_15 = arith.constant 0 : i32
      %dma_start3A_16 = tpu.memref_slice %arg2[%dma_start3A, %dma_start3A_15] : memref<10112x128xf32, #tpu.memory_space<hbm>> -> memref<10112x128xf32, #tpu.memory_space<hbm>>
      tpu.enqueue_indirect_dma source(%dma_start3A_16 : memref<10112x128xf32, #tpu.memory_space<hbm>>) target(%arg9 : memref<128x128xf32, #tpu.memory_space<vmem>>) offsets(%arg7 : memref<128xi32, #tpu.memory_space<vmem>>) semaphore(%arg11 : memref<!tpu.dma_semaphore, #tpu.memory_space<semaphore_mem>>)
      %dma_wait3A = arith.constant 0 : i32
      %dma_wait3A_17 = arith.constant 0 : i32
      %dma_wait3A_18 = tpu.memref_slice %arg2[%dma_wait3A, %dma_wait3A_17] : memref<10112x128xf32, #tpu.memory_space<hbm>> -> memref<10112x128xf32, #tpu.memory_space<hbm>>
      tpu.wait_indirect_dma semaphore(%arg11 : memref<!tpu.dma_semaphore, #tpu.memory_space<semaphore_mem>>) src(%dma_wait3A_18 : memref<10112x128xf32, #tpu.memory_space<hbm>>) dst(%arg9 : memref<128x128xf32, #tpu.memory_space<vmem>>)
      "tpu.region"() ({
        %run_scoped3A = tpu.sem_alloc : memref<!tpu.dma_semaphore, #tpu.memory_space<semaphore_mem>>
        %dma_start3A_19 = arith.constant 0 : i32
        %dma_start3A_20 = arith.constant 0 : i32
        %dma_start3A_21 = tpu.memref_slice %arg10[%dma_start3A_19, %dma_start3A_20] : memref<10112x128xf32, #tpu.memory_space<vmem_shared>> -> memref<10112x128xf32, #tpu.memory_space<vmem_shared>>
        tpu.enqueue_indirect_dma source(%arg9 : memref<128x128xf32, #tpu.memory_space<vmem>>) target(%dma_start3A_21 : memref<10112x128xf32, #tpu.memory_space<vmem_shared>>) offsets(%arg8 : memref<128xi32, #tpu.memory_space<vmem>>) semaphore(%run_scoped3A : memref<!tpu.dma_semaphore, #tpu.memory_space<semaphore_mem>>) {add = true}
        %dma_wait3A_22 = arith.constant 0 : i32
        %dma_wait3A_23 = arith.constant 0 : i32
        %dma_wait3A_24 = tpu.memref_slice %arg10[%dma_wait3A_22, %dma_wait3A_23] : memref<10112x128xf32, #tpu.memory_space<vmem_shared>> -> memref<10112x128xf32, #tpu.memory_space<vmem_shared>>
        tpu.wait_indirect_dma semaphore(%run_scoped3A : memref<!tpu.dma_semaphore, #tpu.memory_space<semaphore_mem>>) src(%arg9 : memref<128x128xf32, #tpu.memory_space<vmem>>) dst(%dma_wait3A_24 : memref<10112x128xf32, #tpu.memory_space<vmem_shared>>)
        tpu.yield
      }) : () -> ()
    }
    %scan3A_9 = arith.constant 79 : i32
    %barrier3A_10 = arith.constant 0 : index
    tpu.barrier barrier_id(%barrier3A_10)
    "tpu.region"() ({
      %run_scoped3A = tpu.sem_alloc : memref<!tpu.dma_semaphore, #tpu.memory_space<semaphore_mem>>
      %dma_start3A = arith.constant 0 : i32
      %dma_start3A_11 = tpu.memref_slice %arg6[%arg0, %mul3A_2, %dma_start3A] : memref<2x10112x128xf32, #tpu.memory_space<hbm>> -> memref<1x632x128xf32, #tpu.memory_space<hbm>>
      %dma_start3A_12 = tpu.memref_squeeze %dma_start3A_11 : memref<1x632x128xf32, #tpu.memory_space<hbm>> -> memref<632x128xf32, #tpu.memory_space<hbm>>
      %dma_start3A_13 = arith.constant 0 : i32
      %dma_start3A_14 = tpu.memref_slice %arg10[%mul3A_2, %dma_start3A_13] : memref<10112x128xf32, #tpu.memory_space<vmem_shared>> -> memref<632x128xf32, #tpu.memory_space<vmem_shared>>
      tpu.enqueue_dma source(%dma_start3A_14 : memref<632x128xf32, #tpu.memory_space<vmem_shared>>) target(%dma_start3A_12 : memref<632x128xf32, #tpu.memory_space<hbm>>) target_semaphore(%run_scoped3A : memref<!tpu.dma_semaphore, #tpu.memory_space<semaphore_mem>>)
      %dma_wait3A = arith.constant 0 : i32
      %dma_wait3A_15 = tpu.memref_slice %arg6[%arg0, %mul3A_2, %dma_wait3A] : memref<2x10112x128xf32, #tpu.memory_space<hbm>> -> memref<1x632x128xf32, #tpu.memory_space<hbm>>
      %dma_wait3A_16 = tpu.memref_squeeze %dma_wait3A_15 : memref<1x632x128xf32, #tpu.memory_space<hbm>> -> memref<632x128xf32, #tpu.memory_space<hbm>>
      %dma_wait3A_17 = arith.constant 0 : i32
      %dma_wait3A_18 = tpu.memref_slice %arg10[%mul3A_2, %dma_wait3A_17] : memref<10112x128xf32, #tpu.memory_space<vmem_shared>> -> memref<632x128xf32, #tpu.memory_space<vmem_shared>>
      tpu.wait_dma2 semaphore(%run_scoped3A : memref<!tpu.dma_semaphore, #tpu.memory_space<semaphore_mem>>) src(%dma_wait3A_18 : memref<632x128xf32, #tpu.memory_space<vmem_shared>>) dst(%dma_wait3A_16 : memref<632x128xf32, #tpu.memory_space<hbm>>)
      tpu.yield
    }) : () -> ()
    return
  }
}

module attributes {stable_mosaic.version = 14 : i64} {
  func.func @_layer0_body(%arg0: memref<10000x128xf32, #tpu.memory_space<vmem>>, %arg1: memref<2x10112x128xf32, #tpu.memory_space<vmem>>, %arg2: memref<128x64xf32, #tpu.memory_space<vmem>>, %arg3: memref<1x64xf32, #tpu.memory_space<vmem>>, %arg4: memref<1x64xf32, #tpu.memory_space<vmem>>, %arg5: memref<1x64xf32, #tpu.memory_space<vmem>>, %arg6: memref<64x64xf32, #tpu.memory_space<vmem>>, %arg7: memref<1x64xf32, #tpu.memory_space<vmem>>, %arg8: memref<10112x128xf32, #tpu.memory_space<vmem>>) attributes {dimension_semantics = [], scalar_prefetch = 0 : i64, scratch_operands = 0 : i64, tpu.core_type = #tpu.core_type<tc>} {
    %get3A = arith.constant 0 : index
    %get3A_0 = arith.constant 0 : index
    %get3A_1 = vector.load %arg0[%get3A, %get3A_0] : memref<10000x128xf32, #tpu.memory_space<vmem>>, vector<10000x128xf32>
    %get3A_2 = arith.constant 0 : index
    %get3A_3 = arith.constant 0 : index
    %get3A_4 = arith.constant 0 : index
    %get3A_5 = vector.load %arg1[%get3A_2, %get3A_3, %get3A_4] : memref<2x10112x128xf32, #tpu.memory_space<vmem>>, vector<1x10000x128xf32>
    %get3A_6 = vector.shape_cast %get3A_5 : vector<1x10000x128xf32> to vector<10000x128xf32>
    %add3A = arith.addf %get3A_1, %get3A_6 : vector<10000x128xf32>
    %get3A_7 = arith.constant 1 : index
    %get3A_8 = arith.constant 0 : index
    %get3A_9 = arith.constant 0 : index
    %get3A_10 = vector.load %arg1[%get3A_7, %get3A_8, %get3A_9] : memref<2x10112x128xf32, #tpu.memory_space<vmem>>, vector<1x10000x128xf32>
    %get3A_11 = vector.shape_cast %get3A_10 : vector<1x10000x128xf32> to vector<10000x128xf32>
    %add3A_12 = arith.addf %add3A, %get3A_11 : vector<10000x128xf32>
    %get3A_13 = arith.constant 0 : index
    %get3A_14 = arith.constant 0 : index
    %get3A_15 = vector.load %arg2[%get3A_13, %get3A_14] : memref<128x64xf32, #tpu.memory_space<vmem>>, vector<128x64xf32>
    %get3A_16 = arith.constant 0 : index
    %get3A_17 = arith.constant 0 : index
    %get3A_18 = vector.load %arg3[%get3A_16, %get3A_17] : memref<1x64xf32, #tpu.memory_space<vmem>>, vector<1x64xf32>
    %get3A_19 = arith.constant 0 : index
    %get3A_20 = arith.constant 0 : index
    %get3A_21 = vector.load %arg4[%get3A_19, %get3A_20] : memref<1x64xf32, #tpu.memory_space<vmem>>, vector<1x64xf32>
    %get3A_22 = arith.constant 0 : index
    %get3A_23 = arith.constant 0 : index
    %get3A_24 = vector.load %arg5[%get3A_22, %get3A_23] : memref<1x64xf32, #tpu.memory_space<vmem>>, vector<1x64xf32>
    %get3A_25 = arith.constant 0 : index
    %get3A_26 = arith.constant 0 : index
    %get3A_27 = vector.load %arg6[%get3A_25, %get3A_26] : memref<64x64xf32, #tpu.memory_space<vmem>>, vector<64x64xf32>
    %get3A_28 = arith.constant 0 : index
    %get3A_29 = arith.constant 0 : index
    %get3A_30 = vector.load %arg7[%get3A_28, %get3A_29] : memref<1x64xf32, #tpu.memory_space<vmem>>, vector<1x64xf32>
    %dot_general3A = arith.constant dense<0.000000e+00> : vector<10000x64xf32>
    %dot_general3A_31 = tpu.matmul %add3A_12, %get3A_15, %dot_general3A {dimension_numbers = #tpu.dot_dimension_numbers<[1], [0], [0], [1], [0, 0, 1, 1], [], []>, transpose_lhs_hint = false} : vector<10000x128xf32>, vector<128x64xf32>, vector<10000x64xf32> -> vector<10000x64xf32>
    %add3A_32 = vector.broadcast %get3A_18 : vector<1x64xf32> to vector<10000x64xf32>
    %add3A_33 = arith.addf %dot_general3A_31, %add3A_32 : vector<10000x64xf32>
    %reduce_sum3A = arith.constant dense<0.000000e+00> : vector<64xf32>
    %reduce_sum3A_34 = vector.multi_reduction <add>, %add3A_33, %reduce_sum3A [0] : vector<10000x64xf32> to vector<64xf32>
    %div3A = arith.constant 1.000000e+04 : f32
    %div3A_35 = vector.broadcast %div3A : f32 to vector<64xf32>
    %div3A_36 = arith.divf %reduce_sum3A_34, %div3A_35 : vector<64xf32>
    %jit3A = arith.constant 0 : i32
    %reduce_sum3A_37 = arith.constant dense<0.000000e+00> : vector<64xf32>
    %reduce_sum3A_38 = vector.multi_reduction <add>, %add3A_33, %reduce_sum3A_37 [0] : vector<10000x64xf32> to vector<64xf32>
    %broadcast_in_dim3A = vector.shape_cast %reduce_sum3A_38 : vector<64xf32> to vector<1x64xf32>
    %div3A_39 = arith.constant 1.000000e+04 : f32
    %div3A_40 = vector.broadcast %div3A_39 : f32 to vector<1x64xf32>
    %div3A_41 = arith.divf %broadcast_in_dim3A, %div3A_40 : vector<1x64xf32>
    %sub3A = vector.broadcast %div3A_41 : vector<1x64xf32> to vector<10000x64xf32>
    %sub3A_42 = arith.subf %add3A_33, %sub3A : vector<10000x64xf32>
    %square3A = arith.mulf %sub3A_42, %sub3A_42 : vector<10000x64xf32>
    %convert_element_type3A = arith.sitofp %jit3A : i32 to f32
    %sub3A_43 = arith.constant 1.000000e+04 : f32
    %sub3A_44 = arith.subf %sub3A_43, %convert_element_type3A : f32
    %reduce_sum3A_45 = arith.constant dense<0.000000e+00> : vector<64xf32>
    %reduce_sum3A_46 = vector.multi_reduction <add>, %square3A, %reduce_sum3A_45 [0] : vector<10000x64xf32> to vector<64xf32>
    %div3A_47 = vector.broadcast %sub3A_44 : f32 to vector<64xf32>
    %div3A_48 = arith.divf %reduce_sum3A_46, %div3A_47 : vector<64xf32>
    %gt3A = arith.constant 0.000000e+00 : f32
    %gt3A_49 = arith.cmpf ogt, %sub3A_44, %gt3A : f32
    %jit3A_50 = arith.constant 0x7FC00000 : f32
    %broadcast_in_dim3A_51 = vector.broadcast %jit3A_50 : f32 to vector<64xf32>
    %select_n3A = arith.select %gt3A_49, %div3A_48, %broadcast_in_dim3A_51 : vector<64xf32>
    %broadcast_in_dim3A_52 = vector.shape_cast %div3A_36 : vector<64xf32> to vector<1x64xf32>
    %sub3A_53 = vector.broadcast %broadcast_in_dim3A_52 : vector<1x64xf32> to vector<10000x64xf32>
    %sub3A_54 = arith.subf %add3A_33, %sub3A_53 : vector<10000x64xf32>
    %add3A_55 = arith.constant 9.99999974E-6 : f32
    %add3A_56 = vector.broadcast %add3A_55 : f32 to vector<64xf32>
    %add3A_57 = arith.addf %select_n3A, %add3A_56 : vector<64xf32>
    %sqrt3A = math.sqrt %add3A_57 : vector<64xf32>
    %broadcast_in_dim3A_58 = vector.shape_cast %sqrt3A : vector<64xf32> to vector<1x64xf32>
    %div3A_59 = vector.broadcast %broadcast_in_dim3A_58 : vector<1x64xf32> to vector<10000x64xf32>
    %div3A_60 = arith.divf %sub3A_54, %div3A_59 : vector<10000x64xf32>
    %mul3A = vector.broadcast %get3A_21 : vector<1x64xf32> to vector<10000x64xf32>
    %mul3A_61 = arith.mulf %div3A_60, %mul3A : vector<10000x64xf32>
    %add3A_62 = vector.broadcast %get3A_24 : vector<1x64xf32> to vector<10000x64xf32>
    %add3A_63 = arith.addf %mul3A_61, %add3A_62 : vector<10000x64xf32>
    %max3A = arith.constant 0.000000e+00 : f32
    %max3A_64 = vector.broadcast %max3A : f32 to vector<10000x64xf32>
    %max3A_65 = arith.maximumf %add3A_63, %max3A_64 : vector<10000x64xf32>
    %dot_general3A_66 = arith.constant dense<0.000000e+00> : vector<10000x64xf32>
    %dot_general3A_67 = tpu.matmul %max3A_65, %get3A_27, %dot_general3A_66 {dimension_numbers = #tpu.dot_dimension_numbers<[1], [0], [0], [1], [0, 0, 1, 1], [], []>, transpose_lhs_hint = false} : vector<10000x64xf32>, vector<64x64xf32>, vector<10000x64xf32> -> vector<10000x64xf32>
    %add3A_68 = vector.broadcast %get3A_30 : vector<1x64xf32> to vector<10000x64xf32>
    %add3A_69 = arith.addf %dot_general3A_67, %add3A_68 : vector<10000x64xf32>
    %broadcast_in_dim3A_70 = arith.constant 0.000000e+00 : f32
    %broadcast_in_dim3A_71 = vector.broadcast %broadcast_in_dim3A_70 : f32 to vector<10112x128xf32>
    %swap3A = arith.constant 0 : index
    %swap3A_72 = arith.constant 0 : index
    %swap3A_73 = vector.load %arg8[%swap3A, %swap3A_72] : memref<10112x128xf32, #tpu.memory_space<vmem>>, vector<10112x128xf32>
    tpu.vector_store %arg8[%swap3A, %swap3A_72], %broadcast_in_dim3A_71 {strides = array<i32>} : memref<10112x128xf32, #tpu.memory_space<vmem>>, vector<10112x128xf32>,
    %max3A_74 = arith.constant 0.000000e+00 : f32
    %max3A_75 = vector.broadcast %max3A_74 : f32 to vector<10000x64xf32>
    %max3A_76 = arith.maximumf %add3A_69, %max3A_75 : vector<10000x64xf32>
    %swap3A_77 = arith.constant 0 : index
    %swap3A_78 = arith.constant 0 : index
    %swap3A_79 = vector.load %arg8[%swap3A_77, %swap3A_78] : memref<10112x128xf32, #tpu.memory_space<vmem>>, vector<10000x64xf32>
    tpu.vector_store %arg8[%swap3A_77, %swap3A_78], %max3A_76 {strides = array<i32>} : memref<10112x128xf32, #tpu.memory_space<vmem>>, vector<10000x64xf32>,
    return
  }
}

module attributes {stable_mosaic.version = 14 : i64} {
  func.func @_layer_body(%arg0: memref<10112x128xf32, #tpu.memory_space<vmem>>, %arg1: memref<2x10112x128xf32, #tpu.memory_space<vmem>>, %arg2: memref<64x64xf32, #tpu.memory_space<vmem>>, %arg3: memref<1x64xf32, #tpu.memory_space<vmem>>, %arg4: memref<1x64xf32, #tpu.memory_space<vmem>>, %arg5: memref<1x64xf32, #tpu.memory_space<vmem>>, %arg6: memref<64x64xf32, #tpu.memory_space<vmem>>, %arg7: memref<1x64xf32, #tpu.memory_space<vmem>>, %arg8: memref<10112x128xf32, #tpu.memory_space<vmem>>) attributes {dimension_semantics = [], scalar_prefetch = 0 : i64, scratch_operands = 0 : i64, tpu.core_type = #tpu.core_type<tc>} {
    %get3A = arith.constant 0 : index
    %get3A_0 = arith.constant 0 : index
    %get3A_1 = vector.load %arg0[%get3A, %get3A_0] : memref<10112x128xf32, #tpu.memory_space<vmem>>, vector<10000x64xf32>
    %get3A_2 = arith.constant 0 : index
    %get3A_3 = arith.constant 0 : index
    %get3A_4 = arith.constant 0 : index
    %get3A_5 = vector.load %arg1[%get3A_2, %get3A_3, %get3A_4] : memref<2x10112x128xf32, #tpu.memory_space<vmem>>, vector<1x10000x64xf32>
    %get3A_6 = vector.shape_cast %get3A_5 : vector<1x10000x64xf32> to vector<10000x64xf32>
    %add3A = arith.addf %get3A_1, %get3A_6 : vector<10000x64xf32>
    %get3A_7 = arith.constant 1 : index
    %get3A_8 = arith.constant 0 : index
    %get3A_9 = arith.constant 0 : index
    %get3A_10 = vector.load %arg1[%get3A_7, %get3A_8, %get3A_9] : memref<2x10112x128xf32, #tpu.memory_space<vmem>>, vector<1x10000x64xf32>
    %get3A_11 = vector.shape_cast %get3A_10 : vector<1x10000x64xf32> to vector<10000x64xf32>
    %add3A_12 = arith.addf %add3A, %get3A_11 : vector<10000x64xf32>
    %get3A_13 = arith.constant 0 : index
    %get3A_14 = arith.constant 0 : index
    %get3A_15 = vector.load %arg2[%get3A_13, %get3A_14] : memref<64x64xf32, #tpu.memory_space<vmem>>, vector<64x64xf32>
    %get3A_16 = arith.constant 0 : index
    %get3A_17 = arith.constant 0 : index
    %get3A_18 = vector.load %arg3[%get3A_16, %get3A_17] : memref<1x64xf32, #tpu.memory_space<vmem>>, vector<1x64xf32>
    %get3A_19 = arith.constant 0 : index
    %get3A_20 = arith.constant 0 : index
    %get3A_21 = vector.load %arg4[%get3A_19, %get3A_20] : memref<1x64xf32, #tpu.memory_space<vmem>>, vector<1x64xf32>
    %get3A_22 = arith.constant 0 : index
    %get3A_23 = arith.constant 0 : index
    %get3A_24 = vector.load %arg5[%get3A_22, %get3A_23] : memref<1x64xf32, #tpu.memory_space<vmem>>, vector<1x64xf32>
    %get3A_25 = arith.constant 0 : index
    %get3A_26 = arith.constant 0 : index
    %get3A_27 = vector.load %arg6[%get3A_25, %get3A_26] : memref<64x64xf32, #tpu.memory_space<vmem>>, vector<64x64xf32>
    %get3A_28 = arith.constant 0 : index
    %get3A_29 = arith.constant 0 : index
    %get3A_30 = vector.load %arg7[%get3A_28, %get3A_29] : memref<1x64xf32, #tpu.memory_space<vmem>>, vector<1x64xf32>
    %dot_general3A = arith.constant dense<0.000000e+00> : vector<10000x64xf32>
    %dot_general3A_31 = tpu.matmul %add3A_12, %get3A_15, %dot_general3A {dimension_numbers = #tpu.dot_dimension_numbers<[1], [0], [0], [1], [0, 0, 1, 1], [], []>, transpose_lhs_hint = false} : vector<10000x64xf32>, vector<64x64xf32>, vector<10000x64xf32> -> vector<10000x64xf32>
    %add3A_32 = vector.broadcast %get3A_18 : vector<1x64xf32> to vector<10000x64xf32>
    %add3A_33 = arith.addf %dot_general3A_31, %add3A_32 : vector<10000x64xf32>
    %reduce_sum3A = arith.constant dense<0.000000e+00> : vector<64xf32>
    %reduce_sum3A_34 = vector.multi_reduction <add>, %add3A_33, %reduce_sum3A [0] : vector<10000x64xf32> to vector<64xf32>
    %div3A = arith.constant 1.000000e+04 : f32
    %div3A_35 = vector.broadcast %div3A : f32 to vector<64xf32>
    %div3A_36 = arith.divf %reduce_sum3A_34, %div3A_35 : vector<64xf32>
    %jit3A = arith.constant 0 : i32
    %reduce_sum3A_37 = arith.constant dense<0.000000e+00> : vector<64xf32>
    %reduce_sum3A_38 = vector.multi_reduction <add>, %add3A_33, %reduce_sum3A_37 [0] : vector<10000x64xf32> to vector<64xf32>
    %broadcast_in_dim3A = vector.shape_cast %reduce_sum3A_38 : vector<64xf32> to vector<1x64xf32>
    %div3A_39 = arith.constant 1.000000e+04 : f32
    %div3A_40 = vector.broadcast %div3A_39 : f32 to vector<1x64xf32>
    %div3A_41 = arith.divf %broadcast_in_dim3A, %div3A_40 : vector<1x64xf32>
    %sub3A = vector.broadcast %div3A_41 : vector<1x64xf32> to vector<10000x64xf32>
    %sub3A_42 = arith.subf %add3A_33, %sub3A : vector<10000x64xf32>
    %square3A = arith.mulf %sub3A_42, %sub3A_42 : vector<10000x64xf32>
    %convert_element_type3A = arith.sitofp %jit3A : i32 to f32
    %sub3A_43 = arith.constant 1.000000e+04 : f32
    %sub3A_44 = arith.subf %sub3A_43, %convert_element_type3A : f32
    %reduce_sum3A_45 = arith.constant dense<0.000000e+00> : vector<64xf32>
    %reduce_sum3A_46 = vector.multi_reduction <add>, %square3A, %reduce_sum3A_45 [0] : vector<10000x64xf32> to vector<64xf32>
    %div3A_47 = vector.broadcast %sub3A_44 : f32 to vector<64xf32>
    %div3A_48 = arith.divf %reduce_sum3A_46, %div3A_47 : vector<64xf32>
    %gt3A = arith.constant 0.000000e+00 : f32
    %gt3A_49 = arith.cmpf ogt, %sub3A_44, %gt3A : f32
    %jit3A_50 = arith.constant 0x7FC00000 : f32
    %broadcast_in_dim3A_51 = vector.broadcast %jit3A_50 : f32 to vector<64xf32>
    %select_n3A = arith.select %gt3A_49, %div3A_48, %broadcast_in_dim3A_51 : vector<64xf32>
    %broadcast_in_dim3A_52 = vector.shape_cast %div3A_36 : vector<64xf32> to vector<1x64xf32>
    %sub3A_53 = vector.broadcast %broadcast_in_dim3A_52 : vector<1x64xf32> to vector<10000x64xf32>
    %sub3A_54 = arith.subf %add3A_33, %sub3A_53 : vector<10000x64xf32>
    %add3A_55 = arith.constant 9.99999974E-6 : f32
    %add3A_56 = vector.broadcast %add3A_55 : f32 to vector<64xf32>
    %add3A_57 = arith.addf %select_n3A, %add3A_56 : vector<64xf32>
    %sqrt3A = math.sqrt %add3A_57 : vector<64xf32>
    %broadcast_in_dim3A_58 = vector.shape_cast %sqrt3A : vector<64xf32> to vector<1x64xf32>
    %div3A_59 = vector.broadcast %broadcast_in_dim3A_58 : vector<1x64xf32> to vector<10000x64xf32>
    %div3A_60 = arith.divf %sub3A_54, %div3A_59 : vector<10000x64xf32>
    %mul3A = vector.broadcast %get3A_21 : vector<1x64xf32> to vector<10000x64xf32>
    %mul3A_61 = arith.mulf %div3A_60, %mul3A : vector<10000x64xf32>
    %add3A_62 = vector.broadcast %get3A_24 : vector<1x64xf32> to vector<10000x64xf32>
    %add3A_63 = arith.addf %mul3A_61, %add3A_62 : vector<10000x64xf32>
    %max3A = arith.constant 0.000000e+00 : f32
    %max3A_64 = vector.broadcast %max3A : f32 to vector<10000x64xf32>
    %max3A_65 = arith.maximumf %add3A_63, %max3A_64 : vector<10000x64xf32>
    %dot_general3A_66 = arith.constant dense<0.000000e+00> : vector<10000x64xf32>
    %dot_general3A_67 = tpu.matmul %max3A_65, %get3A_27, %dot_general3A_66 {dimension_numbers = #tpu.dot_dimension_numbers<[1], [0], [0], [1], [0, 0, 1, 1], [], []>, transpose_lhs_hint = false} : vector<10000x64xf32>, vector<64x64xf32>, vector<10000x64xf32> -> vector<10000x64xf32>
    %add3A_68 = vector.broadcast %get3A_30 : vector<1x64xf32> to vector<10000x64xf32>
    %add3A_69 = arith.addf %dot_general3A_67, %add3A_68 : vector<10000x64xf32>
    %broadcast_in_dim3A_70 = arith.constant 0.000000e+00 : f32
    %broadcast_in_dim3A_71 = vector.broadcast %broadcast_in_dim3A_70 : f32 to vector<10112x128xf32>
    %swap3A = arith.constant 0 : index
    %swap3A_72 = arith.constant 0 : index
    %swap3A_73 = vector.load %arg8[%swap3A, %swap3A_72] : memref<10112x128xf32, #tpu.memory_space<vmem>>, vector<10112x128xf32>
    tpu.vector_store %arg8[%swap3A, %swap3A_72], %broadcast_in_dim3A_71 {strides = array<i32>} : memref<10112x128xf32, #tpu.memory_space<vmem>>, vector<10112x128xf32>,
    %max3A_74 = arith.constant 0.000000e+00 : f32
    %max3A_75 = vector.broadcast %max3A_74 : f32 to vector<10000x64xf32>
    %max3A_76 = arith.maximumf %add3A_69, %max3A_75 : vector<10000x64xf32>
    %swap3A_77 = arith.constant 0 : index
    %swap3A_78 = arith.constant 0 : index
    %swap3A_79 = vector.load %arg8[%swap3A_77, %swap3A_78] : memref<10112x128xf32, #tpu.memory_space<vmem>>, vector<10000x64xf32>
    tpu.vector_store %arg8[%swap3A_77, %swap3A_78], %max3A_76 {strides = array<i32>} : memref<10112x128xf32, #tpu.memory_space<vmem>>, vector<10000x64xf32>,
    return
  }
}

module attributes {stable_mosaic.version = 14 : i64} {
  func.func @_final_body(%arg0: memref<10112x128xf32, #tpu.memory_space<vmem>>, %arg1: memref<2x10112x128xf32, #tpu.memory_space<vmem>>, %arg2: memref<64x64xf32, #tpu.memory_space<vmem>>, %arg3: memref<1x64xf32, #tpu.memory_space<vmem>>, %arg4: memref<1x64xf32, #tpu.memory_space<vmem>>, %arg5: memref<1x64xf32, #tpu.memory_space<vmem>>, %arg6: memref<64x64xf32, #tpu.memory_space<vmem>>, %arg7: memref<1x64xf32, #tpu.memory_space<vmem>>, %arg8: memref<10000x1xi32, #tpu.memory_space<vmem>>, %arg9: memref<64x64xf32, #tpu.memory_space<vmem>>, %arg10: memref<1x64xf32, #tpu.memory_space<vmem>>, %arg11: memref<64x10xf32, #tpu.memory_space<vmem>>, %arg12: memref<1x10xf32, #tpu.memory_space<vmem>>, %arg13: memref<128x10xf32, #tpu.memory_space<vmem>>) attributes {dimension_semantics = [], scalar_prefetch = 0 : i64, scratch_operands = 0 : i64, tpu.core_type = #tpu.core_type<tc>} {
    %get3A = arith.constant 0 : index
    %get3A_0 = arith.constant 0 : index
    %get3A_1 = vector.load %arg0[%get3A, %get3A_0] : memref<10112x128xf32, #tpu.memory_space<vmem>>, vector<10000x64xf32>
    %get3A_2 = arith.constant 0 : index
    %get3A_3 = arith.constant 0 : index
    %get3A_4 = arith.constant 0 : index
    %get3A_5 = vector.load %arg1[%get3A_2, %get3A_3, %get3A_4] : memref<2x10112x128xf32, #tpu.memory_space<vmem>>, vector<1x10000x64xf32>
    %get3A_6 = vector.shape_cast %get3A_5 : vector<1x10000x64xf32> to vector<10000x64xf32>
    %add3A = arith.addf %get3A_1, %get3A_6 : vector<10000x64xf32>
    %get3A_7 = arith.constant 1 : index
    %get3A_8 = arith.constant 0 : index
    %get3A_9 = arith.constant 0 : index
    %get3A_10 = vector.load %arg1[%get3A_7, %get3A_8, %get3A_9] : memref<2x10112x128xf32, #tpu.memory_space<vmem>>, vector<1x10000x64xf32>
    %get3A_11 = vector.shape_cast %get3A_10 : vector<1x10000x64xf32> to vector<10000x64xf32>
    %add3A_12 = arith.addf %add3A, %get3A_11 : vector<10000x64xf32>
    %get3A_13 = arith.constant 0 : index
    %get3A_14 = arith.constant 0 : index
    %get3A_15 = vector.load %arg2[%get3A_13, %get3A_14] : memref<64x64xf32, #tpu.memory_space<vmem>>, vector<64x64xf32>
    %get3A_16 = arith.constant 0 : index
    %get3A_17 = arith.constant 0 : index
    %get3A_18 = vector.load %arg3[%get3A_16, %get3A_17] : memref<1x64xf32, #tpu.memory_space<vmem>>, vector<1x64xf32>
    %get3A_19 = arith.constant 0 : index
    %get3A_20 = arith.constant 0 : index
    %get3A_21 = vector.load %arg4[%get3A_19, %get3A_20] : memref<1x64xf32, #tpu.memory_space<vmem>>, vector<1x64xf32>
    %get3A_22 = arith.constant 0 : index
    %get3A_23 = arith.constant 0 : index
    %get3A_24 = vector.load %arg5[%get3A_22, %get3A_23] : memref<1x64xf32, #tpu.memory_space<vmem>>, vector<1x64xf32>
    %get3A_25 = arith.constant 0 : index
    %get3A_26 = arith.constant 0 : index
    %get3A_27 = vector.load %arg6[%get3A_25, %get3A_26] : memref<64x64xf32, #tpu.memory_space<vmem>>, vector<64x64xf32>
    %get3A_28 = arith.constant 0 : index
    %get3A_29 = arith.constant 0 : index
    %get3A_30 = vector.load %arg7[%get3A_28, %get3A_29] : memref<1x64xf32, #tpu.memory_space<vmem>>, vector<1x64xf32>
    %dot_general3A = arith.constant dense<0.000000e+00> : vector<10000x64xf32>
    %dot_general3A_31 = tpu.matmul %add3A_12, %get3A_15, %dot_general3A {dimension_numbers = #tpu.dot_dimension_numbers<[1], [0], [0], [1], [0, 0, 1, 1], [], []>, transpose_lhs_hint = false} : vector<10000x64xf32>, vector<64x64xf32>, vector<10000x64xf32> -> vector<10000x64xf32>
    %add3A_32 = vector.broadcast %get3A_18 : vector<1x64xf32> to vector<10000x64xf32>
    %add3A_33 = arith.addf %dot_general3A_31, %add3A_32 : vector<10000x64xf32>
    %reduce_sum3A = arith.constant dense<0.000000e+00> : vector<64xf32>
    %reduce_sum3A_34 = vector.multi_reduction <add>, %add3A_33, %reduce_sum3A [0] : vector<10000x64xf32> to vector<64xf32>
    %div3A = arith.constant 1.000000e+04 : f32
    %div3A_35 = vector.broadcast %div3A : f32 to vector<64xf32>
    %div3A_36 = arith.divf %reduce_sum3A_34, %div3A_35 : vector<64xf32>
    %jit3A = arith.constant 0 : i32
    %reduce_sum3A_37 = arith.constant dense<0.000000e+00> : vector<64xf32>
    %reduce_sum3A_38 = vector.multi_reduction <add>, %add3A_33, %reduce_sum3A_37 [0] : vector<10000x64xf32> to vector<64xf32>
    %broadcast_in_dim3A = vector.shape_cast %reduce_sum3A_38 : vector<64xf32> to vector<1x64xf32>
    %div3A_39 = arith.constant 1.000000e+04 : f32
    %div3A_40 = vector.broadcast %div3A_39 : f32 to vector<1x64xf32>
    %div3A_41 = arith.divf %broadcast_in_dim3A, %div3A_40 : vector<1x64xf32>
    %sub3A = vector.broadcast %div3A_41 : vector<1x64xf32> to vector<10000x64xf32>
    %sub3A_42 = arith.subf %add3A_33, %sub3A : vector<10000x64xf32>
    %square3A = arith.mulf %sub3A_42, %sub3A_42 : vector<10000x64xf32>
    %convert_element_type3A = arith.sitofp %jit3A : i32 to f32
    %sub3A_43 = arith.constant 1.000000e+04 : f32
    %sub3A_44 = arith.subf %sub3A_43, %convert_element_type3A : f32
    %reduce_sum3A_45 = arith.constant dense<0.000000e+00> : vector<64xf32>
    %reduce_sum3A_46 = vector.multi_reduction <add>, %square3A, %reduce_sum3A_45 [0] : vector<10000x64xf32> to vector<64xf32>
    %div3A_47 = vector.broadcast %sub3A_44 : f32 to vector<64xf32>
    %div3A_48 = arith.divf %reduce_sum3A_46, %div3A_47 : vector<64xf32>
    %gt3A = arith.constant 0.000000e+00 : f32
    %gt3A_49 = arith.cmpf ogt, %sub3A_44, %gt3A : f32
    %jit3A_50 = arith.constant 0x7FC00000 : f32
    %broadcast_in_dim3A_51 = vector.broadcast %jit3A_50 : f32 to vector<64xf32>
    %select_n3A = arith.select %gt3A_49, %div3A_48, %broadcast_in_dim3A_51 : vector<64xf32>
    %broadcast_in_dim3A_52 = vector.shape_cast %div3A_36 : vector<64xf32> to vector<1x64xf32>
    %sub3A_53 = vector.broadcast %broadcast_in_dim3A_52 : vector<1x64xf32> to vector<10000x64xf32>
    %sub3A_54 = arith.subf %add3A_33, %sub3A_53 : vector<10000x64xf32>
    %add3A_55 = arith.constant 9.99999974E-6 : f32
    %add3A_56 = vector.broadcast %add3A_55 : f32 to vector<64xf32>
    %add3A_57 = arith.addf %select_n3A, %add3A_56 : vector<64xf32>
    %sqrt3A = math.sqrt %add3A_57 : vector<64xf32>
    %broadcast_in_dim3A_58 = vector.shape_cast %sqrt3A : vector<64xf32> to vector<1x64xf32>
    %div3A_59 = vector.broadcast %broadcast_in_dim3A_58 : vector<1x64xf32> to vector<10000x64xf32>
    %div3A_60 = arith.divf %sub3A_54, %div3A_59 : vector<10000x64xf32>
    %mul3A = vector.broadcast %get3A_21 : vector<1x64xf32> to vector<10000x64xf32>
    %mul3A_61 = arith.mulf %div3A_60, %mul3A : vector<10000x64xf32>
    %add3A_62 = vector.broadcast %get3A_24 : vector<1x64xf32> to vector<10000x64xf32>
    %add3A_63 = arith.addf %mul3A_61, %add3A_62 : vector<10000x64xf32>
    %max3A = arith.constant 0.000000e+00 : f32
    %max3A_64 = vector.broadcast %max3A : f32 to vector<10000x64xf32>
    %max3A_65 = arith.maximumf %add3A_63, %max3A_64 : vector<10000x64xf32>
    %dot_general3A_66 = arith.constant dense<0.000000e+00> : vector<10000x64xf32>
    %dot_general3A_67 = tpu.matmul %max3A_65, %get3A_27, %dot_general3A_66 {dimension_numbers = #tpu.dot_dimension_numbers<[1], [0], [0], [1], [0, 0, 1, 1], [], []>, transpose_lhs_hint = false} : vector<10000x64xf32>, vector<64x64xf32>, vector<10000x64xf32> -> vector<10000x64xf32>
    %add3A_68 = vector.broadcast %get3A_30 : vector<1x64xf32> to vector<10000x64xf32>
    %add3A_69 = arith.addf %dot_general3A_67, %add3A_68 : vector<10000x64xf32>
    %max3A_70 = arith.constant 0.000000e+00 : f32
    %max3A_71 = vector.broadcast %max3A_70 : f32 to vector<10000x64xf32>
    %max3A_72 = arith.maximumf %add3A_69, %max3A_71 : vector<10000x64xf32>
    %iota3A = tpu.iota {dimensions = array<i32: 1>} : vector<1x128xi32>
    %get3A_73 = arith.constant 0 : index
    %get3A_74 = arith.constant 0 : index
    %get3A_75 = vector.load %arg8[%get3A_73, %get3A_74] : memref<10000x1xi32, #tpu.memory_space<vmem>>, vector<10000x1xi32>
    %eq3A = vector.broadcast %get3A_75 : vector<10000x1xi32> to vector<10000x128xi32>
    %eq3A_76 = vector.broadcast %iota3A : vector<1x128xi32> to vector<10000x128xi32>
    %eq3A_77 = arith.cmpi eq, %eq3A, %eq3A_76 : vector<10000x128xi32>
    %convert_element_type3A_78 = arith.extui %eq3A_77 : vector<10000x128xi1> to vector<10000x128xi32>
    %convert_element_type3A_79 = arith.sitofp %convert_element_type3A_78 : vector<10000x128xi32> to vector<10000x128xf32>
    %dot_general3A_80 = arith.constant dense<0.000000e+00> : vector<128x64xf32>
    %dot_general3A_81 = tpu.matmul %convert_element_type3A_79, %max3A_72, %dot_general3A_80 {dimension_numbers = #tpu.dot_dimension_numbers<[0], [0], [1], [1], [0, 1, 1, 1], [], []>, transpose_lhs_hint = false} : vector<10000x128xf32>, vector<10000x64xf32>, vector<128x64xf32> -> vector<128x64xf32>
    %get3A_82 = arith.constant 0 : index
    %get3A_83 = arith.constant 0 : index
    %get3A_84 = vector.load %arg9[%get3A_82, %get3A_83] : memref<64x64xf32, #tpu.memory_space<vmem>>, vector<64x64xf32>
    %dot_general3A_85 = arith.constant dense<0.000000e+00> : vector<128x64xf32>
    %dot_general3A_86 = tpu.matmul %dot_general3A_81, %get3A_84, %dot_general3A_85 {dimension_numbers = #tpu.dot_dimension_numbers<[1], [0], [0], [1], [0, 0, 1, 1], [], []>, transpose_lhs_hint = false} : vector<128x64xf32>, vector<64x64xf32>, vector<128x64xf32> -> vector<128x64xf32>
    %get3A_87 = arith.constant 0 : index
    %get3A_88 = arith.constant 0 : index
    %get3A_89 = vector.load %arg10[%get3A_87, %get3A_88] : memref<1x64xf32, #tpu.memory_space<vmem>>, vector<1x64xf32>
    %add3A_90 = vector.broadcast %get3A_89 : vector<1x64xf32> to vector<128x64xf32>
    %add3A_91 = arith.addf %dot_general3A_86, %add3A_90 : vector<128x64xf32>
    %max3A_92 = arith.constant 0.000000e+00 : f32
    %max3A_93 = vector.broadcast %max3A_92 : f32 to vector<128x64xf32>
    %max3A_94 = arith.maximumf %add3A_91, %max3A_93 : vector<128x64xf32>
    %get3A_95 = arith.constant 0 : index
    %get3A_96 = arith.constant 0 : index
    %get3A_97 = vector.load %arg11[%get3A_95, %get3A_96] : memref<64x10xf32, #tpu.memory_space<vmem>>, vector<64x10xf32>
    %dot_general3A_98 = arith.constant dense<0.000000e+00> : vector<128x10xf32>
    %dot_general3A_99 = tpu.matmul %max3A_94, %get3A_97, %dot_general3A_98 {dimension_numbers = #tpu.dot_dimension_numbers<[1], [0], [0], [1], [0, 0, 1, 1], [], []>, transpose_lhs_hint = false} : vector<128x64xf32>, vector<64x10xf32>, vector<128x10xf32> -> vector<128x10xf32>
    %get3A_100 = arith.constant 0 : index
    %get3A_101 = arith.constant 0 : index
    %get3A_102 = vector.load %arg12[%get3A_100, %get3A_101] : memref<1x10xf32, #tpu.memory_space<vmem>>, vector<1x10xf32>
    %add3A_103 = vector.broadcast %get3A_102 : vector<1x10xf32> to vector<128x10xf32>
    %add3A_104 = arith.addf %dot_general3A_99, %add3A_103 : vector<128x10xf32>
    %swap3A = arith.constant 0 : index
    %swap3A_105 = arith.constant 0 : index
    %swap3A_106 = vector.load %arg13[%swap3A, %swap3A_105] : memref<128x10xf32, #tpu.memory_space<vmem>>, vector<128x10xf32>
    tpu.vector_store %arg13[%swap3A, %swap3A_105], %add3A_104 {strides = array<i32>} : memref<128x10xf32, #tpu.memory_space<vmem>>, vector<128x10xf32>,
    return
  }
}

</mosaic_0001>

<sc_bundles>
// kernel: kernel.12.cloned.1.call-start
scs
__scs_entry_jumppad:
0x0: {  	(pc) =	sbr.rel $0x88, $3  }
0x1: {  	(tag) =	ssettag $0x0;
	lr =	simm.s32 $0x1  }
0x2: {  	[smem:$0x3F8E] =	sst lr;
	_ =	strace $0xD0000000  }
0x3: {  	_ = 	snop  }
0x4: {  	_ = 	snop  }
0x5: {  	_ = 	snop  }
0x6: {  	_ = 	snop  }
0x7: {  	_ = 	snop  }
__scs_overlays_trampoline_lowered:
0x8: {  	[smem:$0x3F9D] =	sst s0  }
0x9: {  	[smem:$0x3F9E] =	sst s1  }
0xa: {  	[smem:$0x3F9F] =	sst s2  }
0xb: {  	[smem:$0x3FA0] =	sst s3  }
0xc: {  	[smem:$0x3FA1] =	sst s4  }
0xd: {  	[smem:$0x3FA2] =	sst s5  }
0xe: {  	[smem:$0x3FA3] =	sst s6  }
0xf: {  	[smem:$0x3FA4] =	sst s7  }
0x10: {  	[smem:$0x3FA5] =	sst s8  }
0x11: {  	[smem:$0x3FA6] =	sst s9;
	s0 =	simm.s32 @!p0 $0x0  }
0x12: {  	s1 =	sld [smem:$0x3F8C];
	s0 =	simm.s32 @p0 $0x1  }
0x13: {  	[smem:$0x3FA7] =	sst s0;
	s0 =	simm.s32 @!p1 $0x0  }
0x14: {  	s2 =	sld [smem:$0x3F8B];
	s0 =	simm.s32 @p1 $0x1  }
0x15: {  	[smem:$0x3FA8] =	sst s0;
	s0 =	simm.s32 @!p2 $0x0  }
0x16: {  	s3 =	sld [smem:$0x3FDB];
	s0 =	simm.s32 @p2 $0x1  }
0x17: {  	s4 =	simm.s32 $0x1BF5;
	[smem:$0x3FAA] =	sst s0  }
0x18: {  	s0 =	sld [smem:$0x3F8D];
	_ =	swait.ge [sflag:s4], $0x0  }
0x19: {  	s7 =	sld [smem:$0x3F8E]  }
0x1a: {  	s8 =	sadd.s32 $0xFFFFE003, lr  }
0x1b: {  	s9 =	sadd.s32 $0xFFFFFEF7, lr;
	s5 =	simm.s32 $0xFFFFFFFF;
	p2 =	slt.u32 s8, $0xFFFFF086  }
0x1c: {  	p1 =	slt.u32 s9, $0xF7A;
	s5 =	simm.s32 @!p2 $0x0  }
0x1d: {  	s5 =	simm.s32 @p1 $0x1;
	p0 =	seq.s32 s7, s2  }
0x1e: {  	s7 =	smul.u32 @!p0 $0xF7A, s2;
	p2 =	seq.s32 @!p0 s5, $0x0  }
0x1f: {  	s9 =	smul.u32 $0xF7A, s1;
	s8 =	simm.s32 @!p0 $0x1BF5;
	p2 =	por !p2, p0  }
0x20: {  	[sflag:s8] =	ssyncset.s32 @!p0 $0xFFFFF086;
	s6 =	sadd.s32 @!p0 s3, s7;
	s7 =	simm.s32 @!p0 $0x108  }
0x21: {  	s3 =	sadd.s32 s3, s9;
	s6 =	sadd.s32 @!p0 $0x88, s6;
	s7 =	simm.s32 @p2 $0x1082  }
0x22: {  	[simem:s7], [sflag:s8] =	dma.local @!p0 [hbm:s6], $0xF7A  }
0x23: {  	s9 =	sor.u32 $0xD0000000, s2;
	s6 =	simm.s32 $0x108;
	_ =	swait.ge @!p0 [sflag:s8], $0x0  }
0x24: {  	s3 =	sadd.s32 $0x88, s3;
	s6 =	simm.s32 @!p1 $0x1082;
	[sflag:s4] =	ssyncset.s32 $0xFFFFF086  }
0x25: {  	[simem:s6], [sflag:s4] =	dma.local [hbm:s3], $0xF7A  }
0x26: {  	[smem:$0x3F8E] =	sst s1;
	(tag) =	ssettag s2;
	_ =	strace s9  }
0x27: {  	s1 =	sld [smem:$0x3F9E]  }
0x28: {  	s2 =	sld [smem:$0x3F9F]  }
0x29: {  	s4 =	sld [smem:$0x3FA1]  }
0x2a: {  	p0 =	seq.s32 s5, $0x0;
	s5 =	sld [smem:$0x3FA2]  }
0x2b: {  	s6 =	sld [smem:$0x3FA3]  }
0x2c: {  	s7 =	sld [smem:$0x3FA4]  }
0x2d: {  	s3 =	simm.s32 $0x108;
	s8 =	sld [smem:$0x3FA5]  }
0x2e: {  	s3 =	simm.s32 @!p0 $0x1082;
	s9 =	sld [smem:$0x3FA6]  }
0x2f: {  	lr =	sadd.s32 s0, s3;
	s0 =	sld [smem:$0x3F9D]  }
0x30: {  	s3 =	sld [smem:$0x3FA0]  }
0x31: {  	[smem:$0x3FA9] =	sst s10  }
0x32: {  	s10 =	sld [smem:$0x3FA7];
	_ =	sdelay $0x3  }
0x33: {  	p0 =	seq.s32 s10, $0x1;
	s10 =	sld [smem:$0x3FA9];
	_ =	sdelay $0x3  }
0x34: {  	[smem:$0x3FA9] =	sst s10  }
0x35: {  	s10 =	sld [smem:$0x3FA8];
	_ =	sdelay $0x3  }
0x36: {  	p1 =	seq.s32 s10, $0x1;
	s10 =	sld [smem:$0x3FA9];
	_ =	sdelay $0x3  }
0x37: {  	[smem:$0x3FA9] =	sst s10  }
0x38: {  	s10 =	sld [smem:$0x3FAA]  }
0x39: {  	_ = 	snop;
	(pc) =	sbr.ind lr, $3  }
0x3a: {  	_ = 	snop  }
0x3b: {  	_ = 	snop  }
0x3c: {  	p2 =	seq.s32 s10, $0x1;
	s10 =	sld [smem:$0x3FA9]  }
0x3d: {  	_ =	shalt  }
0x3e: {  	_ =	shalt  }
0x3f: {  	_ =	shalt  }
0x40: {  	_ =	shalt  }
0x41: {  	_ =	shalt  }
0x42: {  	_ =	shalt  }
0x43: {  	_ =	shalt  }
0x44: {  	_ =	shalt  }
0x45: {  	_ =	shalt  }
0x46: {  	_ =	shalt  }
0x47: {  	_ =	shalt  }
0x48: {  	_ =	shalt  }
0x49: {  	_ =	shalt  }
0x4a: {  	_ =	shalt  }
0x4b: {  	_ =	shalt  }
0x4c: {  	_ =	shalt  }
0x4d: {  	_ =	shalt  }
0x4e: {  	_ =	shalt  }
0x4f: {  	_ =	shalt  }
0x50: {  	_ =	shalt  }
0x51: {  	_ =	shalt  }
0x52: {  	_ =	shalt  }
0x53: {  	_ =	shalt  }
0x54: {  	_ =	shalt  }
0x55: {  	_ =	shalt  }
0x56: {  	_ =	shalt  }
0x57: {  	_ =	shalt  }
0x58: {  	_ =	shalt  }
0x59: {  	_ =	shalt  }
0x5a: {  	_ =	shalt  }
0x5b: {  	_ =	shalt  }
0x5c: {  	_ =	shalt  }
0x5d: {  	_ =	shalt  }
0x5e: {  	_ =	shalt  }
0x5f: {  	_ =	shalt  }
0x60: {  	_ =	shalt  }
0x61: {  	_ =	shalt  }
0x62: {  	_ =	shalt  }
0x63: {  	_ =	shalt  }
0x64: {  	_ =	shalt  }
0x65: {  	_ =	shalt  }
0x66: {  	_ =	shalt  }
0x67: {  	_ =	shalt  }
0x68: {  	_ =	shalt  }
0x69: {  	_ =	shalt  }
0x6a: {  	_ =	shalt  }
0x6b: {  	_ =	shalt  }
0x6c: {  	_ =	shalt  }
0x6d: {  	_ =	shalt  }
0x6e: {  	_ =	shalt  }
0x6f: {  	_ =	shalt  }
0x70: {  	_ =	shalt  }
0x71: {  	_ =	shalt  }
0x72: {  	_ =	shalt  }
0x73: {  	_ =	shalt  }
0x74: {  	_ =	shalt  }
0x75: {  	_ =	shalt  }
0x76: {  	_ =	shalt  }
0x77: {  	_ =	shalt  }
0x78: {  	_ =	shalt  }
0x79: {  	_ =	shalt  }
0x7a: {  	_ =	shalt  }
0x7b: {  	_ =	shalt  }
0x7c: {  	_ =	shalt  }
0x7d: {  	_ =	shalt  }
0x7e: {  	_ =	shalt  }
0x7f: {  	_ =	shalt  }
0x80: {  	_ =	shalt  }
0x81: {  	_ =	shalt  }
0x82: {  	_ =	shalt  }
0x83: {  	_ =	shalt  }
0x84: {  	_ =	shalt  }
0x85: {  	_ =	shalt  }
0x86: {  	_ =	shalt  }
0x87: {  	_ =	shalt  }
.Lfunc_end0:
.L_simem_size_0:
called_computation_lowered:
.L_overlay_start_0:
0x88: {  	s2 =	sld [smem:$0x3FD9]  }
0x89: {  	s3 =	sld [smem:$0x3FFE];
	_ =	sdelay $0x1  }
0x8a: {  	s1 =	srdreg.scid  }
0x8b: {  	s0 =	sand.u32 $0x1, s1  }
0x8c: {  	s17 =	sshll.u32 s0, $0xA;
	s2 =	sadd.s32 s3, s2  }
0x8d: {  	s2 =	sadd.s32 s2, s17  }
0x8e: {  	[smem:$0x3FB5] =	sst s2  }
0x8f: {  	_ = 	snop  }
0x90: {  	s2 =	sld [smem:$0x3FC9];
	(tm) =	ssettm $0x1  }
0x91: {  	s18 =	sld [smem:$0x3FFB];
	_ =	sdelay $0x3  }
0x92: {  	_ =	strace s18  }
0x93: {  	s3 =	sld [smem:$0x3FFC];
	_ =	sdelay $0x3  }
0x94: {  	_ =	strace s3  }
0x95: {  	s3 =	sld [smem:$0x3FFD];
	_ =	sdelay $0x3  }
0x96: {  	_ =	strace s3  }
0x97: {  	_ =	strace $0x8FFFFFFF  }
0x98: {  	s19 =	sld [smem:$0x3FDB];
	_ =	sdelay $0x1  }
0x99: {  	s4 =	simm.s32 $_scs_section_size  }
0x9a: {  	s5 =	simm.s32 $_size__tile_overlayer_lowered;
	s6 =	simm.s32 $_tile_overlayer_lowered  }
0x9b: {  	s22 =	simm.s32 $0x1BFF;
	s21 =	sshll.u32 s6, $0x1;
	s3 =	sadd.s32 s4, s19  }
0x9c: {  	s7 =	simm.s32 $0x0;
	s20 =	sshll.u32 s5, $0x1;
	s5 =	sadd.s32 s21, s3  }
0x9d: {  	[timem:s7], [sflag:s22] =	dma.local [hbm:s5], s20  }
0x9e: {  	_ =	swait.ge [sflag:s22], s20  }
0x9f: {  	s4 =	ssub.s32 $0x0, s20;
	[sflag:s22] =	ssyncset.done $0x0  }
0xa0: {  	[sflag:s22] =	ssyncadd.s32 s4;
	_ =	sdelay $0x1  }
0xa1: {  	s23 =	simm.s32 $0x1B8B  }
0xa2: {  	_ =	swait.ge [sflag:s23], $0x1  }
0xa3: {  	[sflag:s23] =	ssyncset.done $0x0  }
0xa4: {  	s25 =	simm.s32 $0x1B8E;
	s24 =	sld [smem:$0x3FFE];
	[sflag:s23] =	ssyncadd.s32 $0xFFFFFFFF  }
0xa5: {  	s26 =	simm.s32 $execute0_lowered;
	[smem:$0x3FD2] =	sst s25  }
0xa6: {  	s5 =	sshll.u32 s26, $0x1;
	_ =	strace $0x80000046;
	[dreg:$0x1] =	wrdreg $0xFFFFFFFF  }
0xa7: {  	s28 =	simm.s32 $_size_execute0_lowered;
	s3 =	sadd.s32 s3, s5;
	[dreg:$0x0] =	wrdreg $0x0  }
0xa8: {  	s5 =	sshll.u32 s28, $0x1;
	[dreg:$0x2] =	wrdreg s3  }
0xa9: {  	[dreg:$0x3] =	wrdreg s5  }
0xaa: {  	[dreg:$0x4] =	wrdreg $0xC0  }
0xab: {  	_ =	task [dreg:s7], $0x5FFFF  }
0xac: {  	[dreg:$0x1] =	wrdreg $0xFFFFFFFF  }
0xad: {  	[dreg:$0x0] =	wrdreg $0x60  }
0xae: {  	[dreg:$0x2] =	wrdreg s2  }
0xaf: {  	[dreg:$0x3] =	wrdreg s24  }
0xb0: {  	[dreg:$0x4] =	wrdreg $0x41000  }
0xb1: {  	[dreg:$0x5] =	wrdreg $0x9  }
0xb2: {  	_ =	task.clear_ibuf [dreg:s7], $0x6FFFF;
	_ =	strace $0x90000046  }
0xb3: {  	s29 =	simm.s32 $0x9;
	_ =	strace $0x80000048  }
0xb4: {  	_ =	swait.ge [sflag:s29], $0x1  }
0xb5: {  	[sflag:s29] =	ssyncadd.s32 $0xFFFFFFFF  }
0xb6: {  	_ =	strace $0x90000048  }
0xb7: {  	_ =	sfence  }
0xb8: {  	s30 =	sld [smem:$0x0];
	_ =	sdelay $0x2  }
0xb9: {  	s31 =	sshll.u32 s1, $0xD;
	s1 =	sshrl.u32 s1, $0x2  }
0xba: {  	s3 =	sand.u32 $0x4000, s31;
	s1 =	sadd.s32 s1, s30  }
0xbb: {  	s0 =	sor.u32 s3, s0;
	s1 =	sshll.u32 s1, $0x11  }
0xbc: {  	s0 =	sor.u32 s1, s0  }
0xbd: {  	s0 =	sadd.s32 $0x8F2B, s0  }
0xbe: {  	[sflag:s0] =	ssyncadd.remote.s32 $0x1  }
0xbf: {  	_ =	sfence.sel $0xFFFF  }
0xc0: {  	[dreg:$0x0] =	wrdreg $0xFFFFFFFF;
	(pc) =	sbr.abs _section_cstart, $3  }
0xc1: {  	[dreg:$0x1] =	wrdreg $0xFFFFFFFF  }
0xc2: {  	_ =	task.clear_ibuf [dreg:s7], $0x2FFFF;
	_ =	strace $0x9FFFFFFF  }
0xc3: {  	(tm) =	ssettm $0x7FFFFFFF  }
tec
execute0_lowered:
.L_overlay_start_1:
0x0: {  	(tag) =	ssettag $0x1  }
0x1: {  	s0 =	rddreg [dreg:$0x0]  }
0x2: {  	s5 =	rddreg [dreg:$0x1]  }
0x3: {  	s1 =	srdreg.scid;
	s2 =	stileid.u32  }
0x4: {  	s3 =	rddreg [dreg:$0x2];
	s4 =	simm.s32 $0x0;
	s8 =	smul.u32 $0x13C00, s2  }
0x5: {  	s13 =	simm.s32 $0x80;
	s14 =	simm.s32 $0x100;
	s26 =	smul.u32 $0x4F000, s2  }
0x6: {  	s15 =	simm.s32 $0x1;
	s6 =	sand.u32 $0x1, s1;
	s30 =	smul.u32 $0x4F0, s2  }
0x7: {  	s16 =	simm.s32 $0x0;
	s1 =	rddreg [dreg:$0x3];
	s7 =	smul.u32 $0x4F00, s6  }
0x8: {  	[smem:$0x7FF] =	sst s4;
	s31 =	sshll.u32 s2, $0x6;
	s9 =	smul.u32 $0x13C000, s6  }
0x9: {  	_ =	strace $0x80000047;
	s6 =	ssub.s32 $0x2, s6;
	s25 =	sshrl.u32 s8, $0x3  }
0xa: {  	s28 =	sshrl.u32 s6, $0x1;
	s29 =	sshrl.u32 s26, $0x2;
	s10 =	sadd.s32 s7, s5  }
0xb: {  	s8 =	sadd.s32 s8, s9;
	s7 =	sadd.s32 s25, s5;
	s11 =	ssub.s32 s6, s28  }
0xc: {  	s12 =	sadd.s32 s29, s3;
	s6 =	sor.u32 $0x1C02, s31;
	s8 =	sshrl.u32 s8, $0x3  }
0xd: {  	s10 =	sadd.s32 s30, s10;
	s8 =	sadd.s32 s8, s5;
	s5 =	sadd.s32 $0x19200, s7  }
0xe: {  	s9 =	sadd.s32 $0xF400, s10;
	s10 =	sadd.s32 $0x5600, s10;
	s7 =	sadd.s32 $0x40A00, s8  }
0xf: {  	s8 =	smax.u32 s11, $0x1;
	s11 =	sshrl.u32 s12, $0x3;
	s12 =	simm.s32 $0x2  }
.LBB2_1:
0x10: {  	[spmem:s11], [sflag:s6] =	dma.local [hbm:s5], $0x2780  }
0x11: {  	_ =	swait.ge [sflag:s12], $0x2780  }
0x12: {  	[sflag:s12] =	ssyncset.done $0x0  }
0x13: {  	[sflag:s12] =	ssyncadd.s32 $0xFFFFD880  }
0x14: {  	s17 =	sadd.s32 $0x0, s10;
	[bflag:$0x0] =	sbarrier.arrive $0xFFFF  }
0x15: {  	[tilespmem:s4], [sflag:$0x2] =	stream.linear.gather [hbm4b:s17+s4], $0x80, $0x38;
	[tilespmem:$0x17D00] =	vst v63  }
0x16: {  	_ =	swait.ge [sflag:s12], $0x80  }
0x17: {  	[sflag:s12] =	ssyncset.done $0x0  }
0x18: {  	s31 =	sadd.s32 $0x0, s9;
	[sflag:s12] =	ssyncadd.s32 $0xFFFFFF80  }
0x19: {  	[tilespmem:s13], [sflag:$0x2] =	stream.linear.gather [hbm4b:s31+s4], $0x80, $0x38;
	[tilespmem:$0x17D00] =	vst v63  }
0x1a: {  	_ =	swait.ge [sflag:s12], $0x80  }
0x1b: {  	[sflag:s12] =	ssyncset.done $0x0  }
0x1c: {  	[sflag:s12] =	ssyncadd.s32 $0xFFFFFF80  }
0x1d: {  	[tilespmem:s14], [sflag:$0x1] =	stream.indirect.gather [hbm4b:s0+s13], $0x80, s4, s13, $0xb8;
	[tilespmem:$0x17D00] =	vst v63  }
0x1e: {  	_ =	swait.ge [sflag:s15], $0x4000  }
0x1f: {  	[sflag:s15] =	ssyncset.done $0x0  }
0x20: {  	[sflag:s15] =	ssyncadd.s32 $0xFFFFC000  }
0x21: {  	[spmem:s3] =	stream.indirect.scatter.add.f32 [tilespmem:s14], [sflag:$0x2], $0x80, s13, s13, $0xb8;
	[tilespmem:$0x17D00] =	vst v63  }
0x22: {  	_ =	swait.ge [sflag:s12], $0x4000  }
0x23: {  	s18 =	simm.s32 $0x20;
	s17 =	simm.s32 $0x10;
	[sflag:s12] =	ssyncset.done $0x0  }
.LBB2_2:
0x24: {  	s19 =	sadd.s32 s17, s10  }
0x25: {  	[sflag:s12] =	ssyncadd.s32 $0xFFFFC000;
	s20 =	smov.u32 s18;
	s21 =	sadd.s32 $0x10, s18  }
0x26: {  	[tilespmem:s4], [sflag:$0x2] =	stream.linear.gather [hbm4b:s19+s4], $0x80, $0x38;
	[tilespmem:$0x17D00] =	vst v63  }
0x27: {  	p0 =	sne.s32 s18, $0x4E0;
	_ =	swait.ge [sflag:s12], $0x80  }
0x28: {  	[sflag:s12] =	ssyncset.done $0x0  }
0x29: {  	s18 =	sadd.s32 s17, s9;
	s17 =	smov.u32 s20;
	[sflag:s12] =	ssyncadd.s32 $0xFFFFFF80  }
0x2a: {  	[tilespmem:s13], [sflag:$0x2] =	stream.linear.gather [hbm4b:s18+s4], $0x80, $0x38;
	[tilespmem:$0x17D00] =	vst v63  }
0x2b: {  	_ =	swait.ge [sflag:s12], $0x80  }
0x2c: {  	[sflag:s12] =	ssyncset.done $0x0  }
0x2d: {  	[sflag:s12] =	ssyncadd.s32 $0xFFFFFF80  }
0x2e: {  	[tilespmem:s14], [sflag:$0x1] =	stream.indirect.gather [hbm4b:s0+s13], $0x80, s4, s13, $0xb8;
	[tilespmem:$0x17D00] =	vst v63  }
0x2f: {  	_ =	swait.ge [sflag:s15], $0x4000  }
.Ltmp0:
0x30: {  	[sflag:s15] =	ssyncset.done $0x0;
	(pc) =	sbr.rel @p0 .LBB2_2-.Ltmp0, $4  }
0x31: {  	[sflag:s15] =	ssyncadd.s32 $0xFFFFC000  }
0x32: {  	[spmem:s3] =	stream.indirect.scatter.add.f32 [tilespmem:s14], [sflag:$0x2], $0x80, s13, s13, $0xb8;
	[tilespmem:$0x17D00] =	vst v63  }
0x33: {  	_ =	swait.ge [sflag:s12], $0x4000  }
0x34: {  	s18 =	smov.u32 s21;
	[sflag:s12] =	ssyncset.done $0x0  }
0x35: {  	s18 =	sadd.s32 s17, s10;
	[sflag:s12] =	ssyncadd.s32 $0xFFFFC000  }
0x36: {  	[tilespmem:s4], [sflag:$0x2] =	stream.linear.gather [hbm4b:s18+s4], $0x80, $0x38;
	[tilespmem:$0x17D00] =	vst v63  }
0x37: {  	_ =	swait.ge [sflag:s12], $0x80  }
0x38: {  	[sflag:s12] =	ssyncset.done $0x0  }
0x39: {  	s31 =	sadd.s32 s17, s9;
	[sflag:s12] =	ssyncadd.s32 $0xFFFFFF80  }
0x3a: {  	[tilespmem:s13], [sflag:$0x2] =	stream.linear.gather [hbm4b:s31+s4], $0x80, $0x38;
	[tilespmem:$0x17D00] =	vst v63  }
0x3b: {  	_ =	swait.ge [sflag:s12], $0x80  }
0x3c: {  	[sflag:s12] =	ssyncset.done $0x0  }
0x3d: {  	[sflag:s12] =	ssyncadd.s32 $0xFFFFFF80  }
0x3e: {  	[tilespmem:s14], [sflag:$0x1] =	stream.indirect.gather [hbm4b:s0+s13], $0x80, s4, s13, $0xb8;
	[tilespmem:$0x17D00] =	vst v63  }
0x3f: {  	_ =	swait.ge [sflag:s15], $0x4000  }
0x40: {  	[sflag:s15] =	ssyncset.done $0x0  }
0x41: {  	[sflag:s15] =	ssyncadd.s32 $0xFFFFC000  }
0x42: {  	[spmem:s3] =	stream.indirect.scatter.add.f32 [tilespmem:s14], [sflag:$0x2], $0x80, s13, s13, $0xb8;
	[tilespmem:$0x17D00] =	vst v63  }
0x43: {  	_ =	swait.ge [sflag:s12], $0x4000  }
0x44: {  	s16 =	sadd.s32 $0x1, s16;
	[sflag:s12] =	ssyncset.done $0x0  }
0x45: {  	p0 =	sne.s32 s16, s8;
	[sflag:s12] =	ssyncadd.s32 $0xFFFFC000  }
.Ltmp1:
0x46: {  	[bflag:$0x0] =	sbarrier.arrive $0xFFFF;
	(pc) =	sbr.rel @p0 .LBB2_1-.Ltmp1, $4  }
0x47: {  	[hbm:s7], [sflag:s6] =	dma.local [spmem:s11], $0x2780  }
0x48: {  	_ =	swait.ge [sflag:s12], $0x2780  }
0x49: {  	[sflag:s12] =	ssyncset.done $0x0  }
0x4a: {  	[sflag:s12] =	ssyncadd.s32 $0xFFFFD880  }
0x4b: {  	_ =	sfence.sel $0x180000  }
0x4c: {  	[bflag:$0x0] =	sbarrier.arrive $0xFFFF  }
0x4d: {  	p0 =	sne.s32 s2, $0x0;
	_ =	strace $0x90000047  }
0x4e: {  	s0 =	sadd.s32 @!p0 $0x100000, s1;
	[bflag:$0x2] =	sbarrier.arrive $0xFFFF  }
0x4f: {  	[sflag:s0] =	ssyncadd.tile.s32 @!p0 $0x1;
	_ =	shalt  }
.Lfunc_end2:
_tile_overlayer_lowered:
.L_overlay_start_2:
0x50: {  	(tag) =	ssettag $0x2  }
0x51: {  	s0 =	rddreg [dreg:$0x0];
	s2 =	stileid.u32  }
0x52: {  	s1 =	rddreg [dreg:$0x1];
	p0 =	sne.s32 s2, $0x0  }
0x53: {  	s3 =	rddreg [dreg:$0x2];
	[bflag:$0x3] =	sbarrier.arrive $0xFFFF;
	s2 =	simm.s32 @!p0 $0x1C02  }
0x54: {  	[timem:s3], [sflag:s2] =	dma.local @!p0 [hbm:s0], s1  }
0x55: {  	s0 =	simm.s32 @!p0 $0x2  }
0x56: {  	_ =	swait.ge @!p0 [sflag:s0], s1  }
0x57: {  	s1 =	ssub.s32 @!p0 $0x0, s1;
	[sflag:s0] =	ssyncset.done @!p0 $0x0  }
0x58: {  	[sflag:s0] =	ssyncadd.s32 @!p0 s1  }
0x59: {  	[bflag:$0x3] =	sbarrier.arrive $0xFFFF  }
0x5a: {  	_ =	shalt  }

// kernel: kernel.15.cloned.1.call-start
scs
__scs_entry_jumppad:
0x0: {  	(pc) =	sbr.rel $0x88, $3  }
0x1: {  	(tag) =	ssettag $0x0;
	lr =	simm.s32 $0x1  }
0x2: {  	[smem:$0x3F8E] =	sst lr;
	_ =	strace $0xD0000000  }
0x3: {  	_ = 	snop  }
0x4: {  	_ = 	snop  }
0x5: {  	_ = 	snop  }
0x6: {  	_ = 	snop  }
0x7: {  	_ = 	snop  }
__scs_overlays_trampoline_lowered:
0x8: {  	[smem:$0x3F9D] =	sst s0  }
0x9: {  	[smem:$0x3F9E] =	sst s1  }
0xa: {  	[smem:$0x3F9F] =	sst s2  }
0xb: {  	[smem:$0x3FA0] =	sst s3  }
0xc: {  	[smem:$0x3FA1] =	sst s4  }
0xd: {  	[smem:$0x3FA2] =	sst s5  }
0xe: {  	[smem:$0x3FA3] =	sst s6  }
0xf: {  	[smem:$0x3FA4] =	sst s7  }
0x10: {  	[smem:$0x3FA5] =	sst s8  }
0x11: {  	[smem:$0x3FA6] =	sst s9;
	s0 =	simm.s32 @!p0 $0x0  }
0x12: {  	s1 =	sld [smem:$0x3F8C];
	s0 =	simm.s32 @p0 $0x1  }
0x13: {  	[smem:$0x3FA7] =	sst s0;
	s0 =	simm.s32 @!p1 $0x0  }
0x14: {  	s2 =	sld [smem:$0x3F8B];
	s0 =	simm.s32 @p1 $0x1  }
0x15: {  	[smem:$0x3FA8] =	sst s0;
	s0 =	simm.s32 @!p2 $0x0  }
0x16: {  	s3 =	sld [smem:$0x3FDB];
	s0 =	simm.s32 @p2 $0x1  }
0x17: {  	s4 =	simm.s32 $0x1BF5;
	[smem:$0x3FAA] =	sst s0  }
0x18: {  	s0 =	sld [smem:$0x3F8D];
	_ =	swait.ge [sflag:s4], $0x0  }
0x19: {  	s7 =	sld [smem:$0x3F8E]  }
0x1a: {  	s8 =	sadd.s32 $0xFFFFE003, lr  }
0x1b: {  	s9 =	sadd.s32 $0xFFFFFEF7, lr;
	s5 =	simm.s32 $0xFFFFFFFF;
	p2 =	slt.u32 s8, $0xFFFFF086  }
0x1c: {  	p1 =	slt.u32 s9, $0xF7A;
	s5 =	simm.s32 @!p2 $0x0  }
0x1d: {  	s5 =	simm.s32 @p1 $0x1;
	p0 =	seq.s32 s7, s2  }
0x1e: {  	s7 =	smul.u32 @!p0 $0xF7A, s2;
	p2 =	seq.s32 @!p0 s5, $0x0  }
0x1f: {  	s9 =	smul.u32 $0xF7A, s1;
	s8 =	simm.s32 @!p0 $0x1BF5;
	p2 =	por !p2, p0  }
0x20: {  	[sflag:s8] =	ssyncset.s32 @!p0 $0xFFFFF086;
	s6 =	sadd.s32 @!p0 s3, s7;
	s7 =	simm.s32 @!p0 $0x108  }
0x21: {  	s3 =	sadd.s32 s3, s9;
	s6 =	sadd.s32 @!p0 $0x88, s6;
	s7 =	simm.s32 @p2 $0x1082  }
0x22: {  	[simem:s7], [sflag:s8] =	dma.local @!p0 [hbm:s6], $0xF7A  }
0x23: {  	s9 =	sor.u32 $0xD0000000, s2;
	s6 =	simm.s32 $0x108;
	_ =	swait.ge @!p0 [sflag:s8], $0x0  }
0x24: {  	s3 =	sadd.s32 $0x88, s3;
	s6 =	simm.s32 @!p1 $0x1082;
	[sflag:s4] =	ssyncset.s32 $0xFFFFF086  }
0x25: {  	[simem:s6], [sflag:s4] =	dma.local [hbm:s3], $0xF7A  }
0x26: {  	[smem:$0x3F8E] =	sst s1;
	(tag) =	ssettag s2;
	_ =	strace s9  }
0x27: {  	s1 =	sld [smem:$0x3F9E]  }
0x28: {  	s2 =	sld [smem:$0x3F9F]  }
0x29: {  	s4 =	sld [smem:$0x3FA1]  }
0x2a: {  	p0 =	seq.s32 s5, $0x0;
	s5 =	sld [smem:$0x3FA2]  }
0x2b: {  	s6 =	sld [smem:$0x3FA3]  }
0x2c: {  	s7 =	sld [smem:$0x3FA4]  }
0x2d: {  	s3 =	simm.s32 $0x108;
	s8 =	sld [smem:$0x3FA5]  }
0x2e: {  	s3 =	simm.s32 @!p0 $0x1082;
	s9 =	sld [smem:$0x3FA6]  }
0x2f: {  	lr =	sadd.s32 s0, s3;
	s0 =	sld [smem:$0x3F9D]  }
0x30: {  	s3 =	sld [smem:$0x3FA0]  }
0x31: {  	[smem:$0x3FA9] =	sst s10  }
0x32: {  	s10 =	sld [smem:$0x3FA7];
	_ =	sdelay $0x3  }
0x33: {  	p0 =	seq.s32 s10, $0x1;
	s10 =	sld [smem:$0x3FA9];
	_ =	sdelay $0x3  }
0x34: {  	[smem:$0x3FA9] =	sst s10  }
0x35: {  	s10 =	sld [smem:$0x3FA8];
	_ =	sdelay $0x3  }
0x36: {  	p1 =	seq.s32 s10, $0x1;
	s10 =	sld [smem:$0x3FA9];
	_ =	sdelay $0x3  }
0x37: {  	[smem:$0x3FA9] =	sst s10  }
0x38: {  	s10 =	sld [smem:$0x3FAA]  }
0x39: {  	_ = 	snop;
	(pc) =	sbr.ind lr, $3  }
0x3a: {  	_ = 	snop  }
0x3b: {  	_ = 	snop  }
0x3c: {  	p2 =	seq.s32 s10, $0x1;
	s10 =	sld [smem:$0x3FA9]  }
0x3d: {  	_ =	shalt  }
0x3e: {  	_ =	shalt  }
0x3f: {  	_ =	shalt  }
0x40: {  	_ =	shalt  }
0x41: {  	_ =	shalt  }
0x42: {  	_ =	shalt  }
0x43: {  	_ =	shalt  }
0x44: {  	_ =	shalt  }
0x45: {  	_ =	shalt  }
0x46: {  	_ =	shalt  }
0x47: {  	_ =	shalt  }
0x48: {  	_ =	shalt  }
0x49: {  	_ =	shalt  }
0x4a: {  	_ =	shalt  }
0x4b: {  	_ =	shalt  }
0x4c: {  	_ =	shalt  }
0x4d: {  	_ =	shalt  }
0x4e: {  	_ =	shalt  }
0x4f: {  	_ =	shalt  }
0x50: {  	_ =	shalt  }
0x51: {  	_ =	shalt  }
0x52: {  	_ =	shalt  }
0x53: {  	_ =	shalt  }
0x54: {  	_ =	shalt  }
0x55: {  	_ =	shalt  }
0x56: {  	_ =	shalt  }
0x57: {  	_ =	shalt  }
0x58: {  	_ =	shalt  }
0x59: {  	_ =	shalt  }
0x5a: {  	_ =	shalt  }
0x5b: {  	_ =	shalt  }
0x5c: {  	_ =	shalt  }
0x5d: {  	_ =	shalt  }
0x5e: {  	_ =	shalt  }
0x5f: {  	_ =	shalt  }
0x60: {  	_ =	shalt  }
0x61: {  	_ =	shalt  }
0x62: {  	_ =	shalt  }
0x63: {  	_ =	shalt  }
0x64: {  	_ =	shalt  }
0x65: {  	_ =	shalt  }
0x66: {  	_ =	shalt  }
0x67: {  	_ =	shalt  }
0x68: {  	_ =	shalt  }
0x69: {  	_ =	shalt  }
0x6a: {  	_ =	shalt  }
0x6b: {  	_ =	shalt  }
0x6c: {  	_ =	shalt  }
0x6d: {  	_ =	shalt  }
0x6e: {  	_ =	shalt  }
0x6f: {  	_ =	shalt  }
0x70: {  	_ =	shalt  }
0x71: {  	_ =	shalt  }
0x72: {  	_ =	shalt  }
0x73: {  	_ =	shalt  }
0x74: {  	_ =	shalt  }
0x75: {  	_ =	shalt  }
0x76: {  	_ =	shalt  }
0x77: {  	_ =	shalt  }
0x78: {  	_ =	shalt  }
0x79: {  	_ =	shalt  }
0x7a: {  	_ =	shalt  }
0x7b: {  	_ =	shalt  }
0x7c: {  	_ =	shalt  }
0x7d: {  	_ =	shalt  }
0x7e: {  	_ =	shalt  }
0x7f: {  	_ =	shalt  }
0x80: {  	_ =	shalt  }
0x81: {  	_ =	shalt  }
0x82: {  	_ =	shalt  }
0x83: {  	_ =	shalt  }
0x84: {  	_ =	shalt  }
0x85: {  	_ =	shalt  }
0x86: {  	_ =	shalt  }
0x87: {  	_ =	shalt  }
.Lfunc_end0:
.L_simem_size_0:
called_computation.1_lowered:
.L_overlay_start_0:
0x88: {  	s2 =	sld [smem:$0x3FD9]  }
0x89: {  	s3 =	sld [smem:$0x3FFE];
	_ =	sdelay $0x1  }
0x8a: {  	s1 =	srdreg.scid  }
0x8b: {  	s0 =	sand.u32 $0x1, s1  }
0x8c: {  	s16 =	sshll.u32 s0, $0xA;
	s2 =	sadd.s32 s3, s2  }
0x8d: {  	s2 =	sadd.s32 s2, s16  }
0x8e: {  	[smem:$0x3FB5] =	sst s2  }
0x8f: {  	_ = 	snop  }
0x90: {  	(tm) =	ssettm $0x1  }
0x91: {  	s17 =	sld [smem:$0x3FFB];
	_ =	sdelay $0x3  }
0x92: {  	_ =	strace s17  }
0x93: {  	s2 =	sld [smem:$0x3FFC];
	_ =	sdelay $0x3  }
0x94: {  	_ =	strace s2  }
0x95: {  	s2 =	sld [smem:$0x3FFD];
	_ =	sdelay $0x3  }
0x96: {  	_ =	strace s2  }
0x97: {  	_ =	strace $0x8FFFFFFF  }
0x98: {  	s18 =	sld [smem:$0x3FDB];
	_ =	sdelay $0x1  }
0x99: {  	s19 =	simm.s32 $_scs_section_size  }
0x9a: {  	s4 =	simm.s32 $_size__tile_overlayer_lowered;
	s5 =	simm.s32 $_tile_overlayer_lowered  }
0x9b: {  	s22 =	simm.s32 $0x1BFF;
	s21 =	sshll.u32 s5, $0x1;
	s2 =	sadd.s32 s19, s18  }
0x9c: {  	s6 =	simm.s32 $0x0;
	s20 =	sshll.u32 s4, $0x1;
	s4 =	sadd.s32 s21, s2  }
0x9d: {  	[timem:s6], [sflag:s22] =	dma.local [hbm:s4], s20  }
0x9e: {  	_ =	swait.ge [sflag:s22], s20  }
0x9f: {  	s3 =	ssub.s32 $0x0, s20;
	[sflag:s22] =	ssyncset.done $0x0  }
0xa0: {  	[sflag:s22] =	ssyncadd.s32 s3;
	_ =	sdelay $0x1  }
0xa1: {  	s23 =	simm.s32 $0x1B8B  }
0xa2: {  	_ =	swait.ge [sflag:s23], $0x1  }
0xa3: {  	[sflag:s23] =	ssyncset.done $0x0  }
0xa4: {  	s25 =	simm.s32 $0x1B8E;
	s24 =	sld [smem:$0x3FFE];
	[sflag:s23] =	ssyncadd.s32 $0xFFFFFFFF  }
0xa5: {  	s26 =	simm.s32 $execute0_lowered;
	[smem:$0x3FD2] =	sst s25  }
0xa6: {  	s4 =	sshll.u32 s26, $0x1;
	_ =	strace $0x80000049;
	[dreg:$0x1] =	wrdreg $0xFFFFFFFF  }
0xa7: {  	s28 =	simm.s32 $_size_execute0_lowered;
	s2 =	sadd.s32 s2, s4;
	[dreg:$0x0] =	wrdreg $0x0  }
0xa8: {  	s4 =	sshll.u32 s28, $0x1;
	[dreg:$0x2] =	wrdreg s2  }
0xa9: {  	[dreg:$0x3] =	wrdreg s4  }
0xaa: {  	[dreg:$0x4] =	wrdreg $0xC0  }
0xab: {  	_ =	task [dreg:s6], $0x5FFFF  }
0xac: {  	[dreg:$0x1] =	wrdreg $0xFFFFFFFF  }
0xad: {  	[dreg:$0x0] =	wrdreg $0x60  }
0xae: {  	[dreg:$0x2] =	wrdreg s24  }
0xaf: {  	[dreg:$0x3] =	wrdreg $0x41000  }
0xb0: {  	[dreg:$0x4] =	wrdreg $0x9  }
0xb1: {  	_ =	task.clear_ibuf [dreg:s6], $0x5FFFF;
	_ =	strace $0x90000049  }
0xb2: {  	s29 =	simm.s32 $0x9;
	_ =	strace $0x8000004B  }
0xb3: {  	_ =	swait.ge [sflag:s29], $0x1  }
0xb4: {  	[sflag:s29] =	ssyncadd.s32 $0xFFFFFFFF  }
0xb5: {  	_ =	strace $0x9000004B  }
0xb6: {  	_ =	sfence  }
0xb7: {  	s30 =	sld [smem:$0x0];
	_ =	sdelay $0x2  }
0xb8: {  	s31 =	sshll.u32 s1, $0xD;
	s1 =	sshrl.u32 s1, $0x2  }
0xb9: {  	s3 =	sand.u32 $0x4000, s31;
	s1 =	sadd.s32 s1, s30  }
0xba: {  	s0 =	sor.u32 s3, s0;
	s1 =	sshll.u32 s1, $0x11  }
0xbb: {  	s0 =	sor.u32 s1, s0  }
0xbc: {  	s0 =	sadd.s32 $0x8F2B, s0  }
0xbd: {  	[sflag:s0] =	ssyncadd.remote.s32 $0x1  }
0xbe: {  	_ =	sfence.sel $0xFFFF  }
0xbf: {  	[dreg:$0x0] =	wrdreg $0xFFFFFFFF;
	(pc) =	sbr.abs _section_cstart, $3  }
0xc0: {  	[dreg:$0x1] =	wrdreg $0xFFFFFFFF  }
0xc1: {  	_ =	task.clear_ibuf [dreg:s6], $0x2FFFF;
	_ =	strace $0x9FFFFFFF  }
0xc2: {  	(tm) =	ssettm $0x7FFFFFFF  }
0xc3: {  	_ =	shalt  }
tec
execute0_lowered:
.L_overlay_start_1:
0x0: {  	(tag) =	ssettag $0x1  }
0x1: {  	s5 =	rddreg [dreg:$0x0];
	s0 =	srdreg.scid  }
0x2: {  	s2 =	rddreg [dreg:$0x1];
	s1 =	stileid.u32  }
0x3: {  	s3 =	simm.s32 $0x0;
	s13 =	simm.s32 $0x80;
	s8 =	smul.u32 $0x13C00, s1  }
0x4: {  	s14 =	simm.s32 $0x100;
	s15 =	simm.s32 $0x1;
	s26 =	smul.u32 $0x4F000, s1  }
0x5: {  	s6 =	sand.u32 $0x1, s0;
	s0 =	rddreg [dreg:$0x2];
	s30 =	smul.u32 $0x4F0, s1  }
0x6: {  	s16 =	simm.s32 $0x0;
	[smem:$0x7FF] =	sst s3;
	s7 =	smul.u32 $0x4F00, s6  }
0x7: {  	s4 =	sadd.s32 $0x40A00, s5;
	s31 =	sshll.u32 s1, $0x6;
	s9 =	smul.u32 $0x13C000, s6  }
0x8: {  	_ =	strace $0x8000004A;
	s6 =	ssub.s32 $0x2, s6;
	s25 =	sshrl.u32 s8, $0x3  }
0x9: {  	s28 =	sshrl.u32 s6, $0x1;
	s29 =	sshrl.u32 s26, $0x2;
	s10 =	sadd.s32 s7, s5  }
0xa: {  	s8 =	sadd.s32 s8, s9;
	s7 =	sadd.s32 s25, s5;
	s11 =	ssub.s32 s6, s28  }
0xb: {  	s12 =	sadd.s32 s29, s2;
	s6 =	sor.u32 $0x1C02, s31;
	s8 =	sshrl.u32 s8, $0x3  }
0xc: {  	s10 =	sadd.s32 s30, s10;
	s8 =	sadd.s32 s8, s5;
	s5 =	sadd.s32 $0x19200, s7  }
0xd: {  	s9 =	sadd.s32 $0xF400, s10;
	s10 =	sadd.s32 $0x5600, s10;
	s7 =	sadd.s32 $0x68200, s8  }
0xe: {  	s8 =	smax.u32 s11, $0x1;
	s11 =	sshrl.u32 s12, $0x3;
	s12 =	simm.s32 $0x2  }
.LBB2_1:
0xf: {  	[spmem:s11], [sflag:s6] =	dma.local [hbm:s5], $0x2780  }
0x10: {  	_ =	swait.ge [sflag:s12], $0x2780  }
0x11: {  	[sflag:s12] =	ssyncset.done $0x0  }
0x12: {  	[sflag:s12] =	ssyncadd.s32 $0xFFFFD880  }
0x13: {  	s17 =	sadd.s32 $0x0, s10;
	[bflag:$0x0] =	sbarrier.arrive $0xFFFF  }
0x14: {  	[tilespmem:s3], [sflag:$0x2] =	stream.linear.gather [hbm4b:s17+s3], $0x80, $0x38;
	[tilespmem:$0x17D00] =	vst v63  }
0x15: {  	_ =	swait.ge [sflag:s12], $0x80  }
0x16: {  	[sflag:s12] =	ssyncset.done $0x0  }
0x17: {  	s31 =	sadd.s32 $0x0, s9;
	[sflag:s12] =	ssyncadd.s32 $0xFFFFFF80  }
0x18: {  	[tilespmem:s13], [sflag:$0x2] =	stream.linear.gather [hbm4b:s31+s3], $0x80, $0x38;
	[tilespmem:$0x17D00] =	vst v63  }
0x19: {  	_ =	swait.ge [sflag:s12], $0x80  }
0x1a: {  	[sflag:s12] =	ssyncset.done $0x0  }
0x1b: {  	[sflag:s12] =	ssyncadd.s32 $0xFFFFFF80  }
0x1c: {  	[tilespmem:s14], [sflag:$0x1] =	stream.indirect.gather [hbm4b:s4+s13], $0x80, s3, s13, $0xb8;
	[tilespmem:$0x17D00] =	vst v63  }
0x1d: {  	_ =	swait.ge [sflag:s15], $0x4000  }
0x1e: {  	[sflag:s15] =	ssyncset.done $0x0  }
0x1f: {  	[sflag:s15] =	ssyncadd.s32 $0xFFFFC000  }
0x20: {  	[spmem:s2] =	stream.indirect.scatter.add.f32 [tilespmem:s14], [sflag:$0x2], $0x80, s13, s13, $0xb8;
	[tilespmem:$0x17D00] =	vst v63  }
0x21: {  	_ =	swait.ge [sflag:s12], $0x4000  }
0x22: {  	s18 =	simm.s32 $0x20;
	s17 =	simm.s32 $0x10;
	[sflag:s12] =	ssyncset.done $0x0  }
.LBB2_2:
0x23: {  	s19 =	sadd.s32 s17, s10  }
0x24: {  	[sflag:s12] =	ssyncadd.s32 $0xFFFFC000;
	s20 =	smov.u32 s18;
	s21 =	sadd.s32 $0x10, s18  }
0x25: {  	[tilespmem:s3], [sflag:$0x2] =	stream.linear.gather [hbm4b:s19+s3], $0x80, $0x38;
	[tilespmem:$0x17D00] =	vst v63  }
0x26: {  	p0 =	sne.s32 s18, $0x4E0;
	_ =	swait.ge [sflag:s12], $0x80  }
0x27: {  	[sflag:s12] =	ssyncset.done $0x0  }
0x28: {  	s18 =	sadd.s32 s17, s9;
	s17 =	smov.u32 s20;
	[sflag:s12] =	ssyncadd.s32 $0xFFFFFF80  }
0x29: {  	[tilespmem:s13], [sflag:$0x2] =	stream.linear.gather [hbm4b:s18+s3], $0x80, $0x38;
	[tilespmem:$0x17D00] =	vst v63  }
0x2a: {  	_ =	swait.ge [sflag:s12], $0x80  }
0x2b: {  	[sflag:s12] =	ssyncset.done $0x0  }
0x2c: {  	[sflag:s12] =	ssyncadd.s32 $0xFFFFFF80  }
0x2d: {  	[tilespmem:s14], [sflag:$0x1] =	stream.indirect.gather [hbm4b:s4+s13], $0x80, s3, s13, $0xb8;
	[tilespmem:$0x17D00] =	vst v63  }
0x2e: {  	_ =	swait.ge [sflag:s15], $0x4000  }
.Ltmp0:
0x2f: {  	[sflag:s15] =	ssyncset.done $0x0;
	(pc) =	sbr.rel @p0 .LBB2_2-.Ltmp0, $4  }
0x30: {  	[sflag:s15] =	ssyncadd.s32 $0xFFFFC000  }
0x31: {  	[spmem:s2] =	stream.indirect.scatter.add.f32 [tilespmem:s14], [sflag:$0x2], $0x80, s13, s13, $0xb8;
	[tilespmem:$0x17D00] =	vst v63  }
0x32: {  	_ =	swait.ge [sflag:s12], $0x4000  }
0x33: {  	s18 =	smov.u32 s21;
	[sflag:s12] =	ssyncset.done $0x0  }
0x34: {  	s18 =	sadd.s32 s17, s10;
	[sflag:s12] =	ssyncadd.s32 $0xFFFFC000  }
0x35: {  	[tilespmem:s3], [sflag:$0x2] =	stream.linear.gather [hbm4b:s18+s3], $0x80, $0x38;
	[tilespmem:$0x17D00] =	vst v63  }
0x36: {  	_ =	swait.ge [sflag:s12], $0x80  }
0x37: {  	[sflag:s12] =	ssyncset.done $0x0  }
0x38: {  	s31 =	sadd.s32 s17, s9;
	[sflag:s12] =	ssyncadd.s32 $0xFFFFFF80  }
0x39: {  	[tilespmem:s13], [sflag:$0x2] =	stream.linear.gather [hbm4b:s31+s3], $0x80, $0x38;
	[tilespmem:$0x17D00] =	vst v63  }
0x3a: {  	_ =	swait.ge [sflag:s12], $0x80  }
0x3b: {  	[sflag:s12] =	ssyncset.done $0x0  }
0x3c: {  	[sflag:s12] =	ssyncadd.s32 $0xFFFFFF80  }
0x3d: {  	[tilespmem:s14], [sflag:$0x1] =	stream.indirect.gather [hbm4b:s4+s13], $0x80, s3, s13, $0xb8;
	[tilespmem:$0x17D00] =	vst v63  }
0x3e: {  	_ =	swait.ge [sflag:s15], $0x4000  }
0x3f: {  	[sflag:s15] =	ssyncset.done $0x0  }
0x40: {  	[sflag:s15] =	ssyncadd.s32 $0xFFFFC000  }
0x41: {  	[spmem:s2] =	stream.indirect.scatter.add.f32 [tilespmem:s14], [sflag:$0x2], $0x80, s13, s13, $0xb8;
	[tilespmem:$0x17D00] =	vst v63  }
0x42: {  	_ =	swait.ge [sflag:s12], $0x4000  }
0x43: {  	s16 =	sadd.s32 $0x1, s16;
	[sflag:s12] =	ssyncset.done $0x0  }
0x44: {  	p0 =	sne.s32 s16, s8;
	[sflag:s12] =	ssyncadd.s32 $0xFFFFC000  }
.Ltmp1:
0x45: {  	[bflag:$0x0] =	sbarrier.arrive $0xFFFF;
	(pc) =	sbr.rel @p0 .LBB2_1-.Ltmp1, $4  }
0x46: {  	[hbm:s7], [sflag:s6] =	dma.local [spmem:s11], $0x2780  }
0x47: {  	_ =	swait.ge [sflag:s12], $0x2780  }
0x48: {  	[sflag:s12] =	ssyncset.done $0x0  }
0x49: {  	[sflag:s12] =	ssyncadd.s32 $0xFFFFD880  }
0x4a: {  	_ =	sfence.sel $0x180000  }
0x4b: {  	[bflag:$0x0] =	sbarrier.arrive $0xFFFF  }
0x4c: {  	p0 =	sne.s32 s1, $0x0;
	_ =	strace $0x9000004A  }
0x4d: {  	s0 =	sadd.s32 @!p0 $0x100000, s0;
	[bflag:$0x2] =	sbarrier.arrive $0xFFFF  }
0x4e: {  	[sflag:s0] =	ssyncadd.tile.s32 @!p0 $0x1;
	_ =	shalt  }
.Lfunc_end2:
_tile_overlayer_lowered:
.L_overlay_start_2:
0x4f: {  	(tag) =	ssettag $0x2  }
0x50: {  	s0 =	rddreg [dreg:$0x0];
	s2 =	stileid.u32  }
0x51: {  	s1 =	rddreg [dreg:$0x1];
	p0 =	sne.s32 s2, $0x0  }
0x52: {  	s3 =	rddreg [dreg:$0x2];
	[bflag:$0x3] =	sbarrier.arrive $0xFFFF;
	s2 =	simm.s32 @!p0 $0x1C02  }
0x53: {  	[timem:s3], [sflag:s2] =	dma.local @!p0 [hbm:s0], s1  }
0x54: {  	s0 =	simm.s32 @!p0 $0x2  }
0x55: {  	_ =	swait.ge @!p0 [sflag:s0], s1  }
0x56: {  	s1 =	ssub.s32 @!p0 $0x0, s1;
	[sflag:s0] =	ssyncset.done @!p0 $0x0  }
0x57: {  	[sflag:s0] =	ssyncadd.s32 @!p0 s1  }
0x58: {  	[bflag:$0x3] =	sbarrier.arrive $0xFFFF  }
0x59: {  	_ =	shalt  }

// kernel: kernel.18.cloned.1.call-start
scs
__scs_entry_jumppad:
0x0: {  	(pc) =	sbr.rel $0x88, $3  }
0x1: {  	(tag) =	ssettag $0x0;
	lr =	simm.s32 $0x1  }
0x2: {  	[smem:$0x3F8E] =	sst lr;
	_ =	strace $0xD0000000  }
0x3: {  	_ = 	snop  }
0x4: {  	_ = 	snop  }
0x5: {  	_ = 	snop  }
0x6: {  	_ = 	snop  }
0x7: {  	_ = 	snop  }
__scs_overlays_trampoline_lowered:
0x8: {  	[smem:$0x3F9D] =	sst s0  }
0x9: {  	[smem:$0x3F9E] =	sst s1  }
0xa: {  	[smem:$0x3F9F] =	sst s2  }
0xb: {  	[smem:$0x3FA0] =	sst s3  }
0xc: {  	[smem:$0x3FA1] =	sst s4  }
0xd: {  	[smem:$0x3FA2] =	sst s5  }
0xe: {  	[smem:$0x3FA3] =	sst s6  }
0xf: {  	[smem:$0x3FA4] =	sst s7  }
0x10: {  	[smem:$0x3FA5] =	sst s8  }
0x11: {  	[smem:$0x3FA6] =	sst s9;
	s0 =	simm.s32 @!p0 $0x0  }
0x12: {  	s1 =	sld [smem:$0x3F8C];
	s0 =	simm.s32 @p0 $0x1  }
0x13: {  	[smem:$0x3FA7] =	sst s0;
	s0 =	simm.s32 @!p1 $0x0  }
0x14: {  	s2 =	sld [smem:$0x3F8B];
	s0 =	simm.s32 @p1 $0x1  }
0x15: {  	[smem:$0x3FA8] =	sst s0;
	s0 =	simm.s32 @!p2 $0x0  }
0x16: {  	s3 =	sld [smem:$0x3FDB];
	s0 =	simm.s32 @p2 $0x1  }
0x17: {  	s4 =	simm.s32 $0x1BF5;
	[smem:$0x3FAA] =	sst s0  }
0x18: {  	s0 =	sld [smem:$0x3F8D];
	_ =	swait.ge [sflag:s4], $0x0  }
0x19: {  	s7 =	sld [smem:$0x3F8E]  }
0x1a: {  	s8 =	sadd.s32 $0xFFFFE003, lr  }
0x1b: {  	s9 =	sadd.s32 $0xFFFFFEF7, lr;
	s5 =	simm.s32 $0xFFFFFFFF;
	p2 =	slt.u32 s8, $0xFFFFF086  }
0x1c: {  	p1 =	slt.u32 s9, $0xF7A;
	s5 =	simm.s32 @!p2 $0x0  }
0x1d: {  	s5 =	simm.s32 @p1 $0x1;
	p0 =	seq.s32 s7, s2  }
0x1e: {  	s7 =	smul.u32 @!p0 $0xF7A, s2;
	p2 =	seq.s32 @!p0 s5, $0x0  }
0x1f: {  	s9 =	smul.u32 $0xF7A, s1;
	s8 =	simm.s32 @!p0 $0x1BF5;
	p2 =	por !p2, p0  }
0x20: {  	[sflag:s8] =	ssyncset.s32 @!p0 $0xFFFFF086;
	s6 =	sadd.s32 @!p0 s3, s7;
	s7 =	simm.s32 @!p0 $0x108  }
0x21: {  	s3 =	sadd.s32 s3, s9;
	s6 =	sadd.s32 @!p0 $0x88, s6;
	s7 =	simm.s32 @p2 $0x1082  }
0x22: {  	[simem:s7], [sflag:s8] =	dma.local @!p0 [hbm:s6], $0xF7A  }
0x23: {  	s9 =	sor.u32 $0xD0000000, s2;
	s6 =	simm.s32 $0x108;
	_ =	swait.ge @!p0 [sflag:s8], $0x0  }
0x24: {  	s3 =	sadd.s32 $0x88, s3;
	s6 =	simm.s32 @!p1 $0x1082;
	[sflag:s4] =	ssyncset.s32 $0xFFFFF086  }
0x25: {  	[simem:s6], [sflag:s4] =	dma.local [hbm:s3], $0xF7A  }
0x26: {  	[smem:$0x3F8E] =	sst s1;
	(tag) =	ssettag s2;
	_ =	strace s9  }
0x27: {  	s1 =	sld [smem:$0x3F9E]  }
0x28: {  	s2 =	sld [smem:$0x3F9F]  }
0x29: {  	s4 =	sld [smem:$0x3FA1]  }
0x2a: {  	p0 =	seq.s32 s5, $0x0;
	s5 =	sld [smem:$0x3FA2]  }
0x2b: {  	s6 =	sld [smem:$0x3FA3]  }
0x2c: {  	s7 =	sld [smem:$0x3FA4]  }
0x2d: {  	s3 =	simm.s32 $0x108;
	s8 =	sld [smem:$0x3FA5]  }
0x2e: {  	s3 =	simm.s32 @!p0 $0x1082;
	s9 =	sld [smem:$0x3FA6]  }
0x2f: {  	lr =	sadd.s32 s0, s3;
	s0 =	sld [smem:$0x3F9D]  }
0x30: {  	s3 =	sld [smem:$0x3FA0]  }
0x31: {  	[smem:$0x3FA9] =	sst s10  }
0x32: {  	s10 =	sld [smem:$0x3FA7];
	_ =	sdelay $0x3  }
0x33: {  	p0 =	seq.s32 s10, $0x1;
	s10 =	sld [smem:$0x3FA9];
	_ =	sdelay $0x3  }
0x34: {  	[smem:$0x3FA9] =	sst s10  }
0x35: {  	s10 =	sld [smem:$0x3FA8];
	_ =	sdelay $0x3  }
0x36: {  	p1 =	seq.s32 s10, $0x1;
	s10 =	sld [smem:$0x3FA9];
	_ =	sdelay $0x3  }
0x37: {  	[smem:$0x3FA9] =	sst s10  }
0x38: {  	s10 =	sld [smem:$0x3FAA]  }
0x39: {  	_ = 	snop;
	(pc) =	sbr.ind lr, $3  }
0x3a: {  	_ = 	snop  }
0x3b: {  	_ = 	snop  }
0x3c: {  	p2 =	seq.s32 s10, $0x1;
	s10 =	sld [smem:$0x3FA9]  }
0x3d: {  	_ =	shalt  }
0x3e: {  	_ =	shalt  }
0x3f: {  	_ =	shalt  }
0x40: {  	_ =	shalt  }
0x41: {  	_ =	shalt  }
0x42: {  	_ =	shalt  }
0x43: {  	_ =	shalt  }
0x44: {  	_ =	shalt  }
0x45: {  	_ =	shalt  }
0x46: {  	_ =	shalt  }
0x47: {  	_ =	shalt  }
0x48: {  	_ =	shalt  }
0x49: {  	_ =	shalt  }
0x4a: {  	_ =	shalt  }
0x4b: {  	_ =	shalt  }
0x4c: {  	_ =	shalt  }
0x4d: {  	_ =	shalt  }
0x4e: {  	_ =	shalt  }
0x4f: {  	_ =	shalt  }
0x50: {  	_ =	shalt  }
0x51: {  	_ =	shalt  }
0x52: {  	_ =	shalt  }
0x53: {  	_ =	shalt  }
0x54: {  	_ =	shalt  }
0x55: {  	_ =	shalt  }
0x56: {  	_ =	shalt  }
0x57: {  	_ =	shalt  }
0x58: {  	_ =	shalt  }
0x59: {  	_ =	shalt  }
0x5a: {  	_ =	shalt  }
0x5b: {  	_ =	shalt  }
0x5c: {  	_ =	shalt  }
0x5d: {  	_ =	shalt  }
0x5e: {  	_ =	shalt  }
0x5f: {  	_ =	shalt  }
0x60: {  	_ =	shalt  }
0x61: {  	_ =	shalt  }
0x62: {  	_ =	shalt  }
0x63: {  	_ =	shalt  }
0x64: {  	_ =	shalt  }
0x65: {  	_ =	shalt  }
0x66: {  	_ =	shalt  }
0x67: {  	_ =	shalt  }
0x68: {  	_ =	shalt  }
0x69: {  	_ =	shalt  }
0x6a: {  	_ =	shalt  }
0x6b: {  	_ =	shalt  }
0x6c: {  	_ =	shalt  }
0x6d: {  	_ =	shalt  }
0x6e: {  	_ =	shalt  }
0x6f: {  	_ =	shalt  }
0x70: {  	_ =	shalt  }
0x71: {  	_ =	shalt  }
0x72: {  	_ =	shalt  }
0x73: {  	_ =	shalt  }
0x74: {  	_ =	shalt  }
0x75: {  	_ =	shalt  }
0x76: {  	_ =	shalt  }
0x77: {  	_ =	shalt  }
0x78: {  	_ =	shalt  }
0x79: {  	_ =	shalt  }
0x7a: {  	_ =	shalt  }
0x7b: {  	_ =	shalt  }
0x7c: {  	_ =	shalt  }
0x7d: {  	_ =	shalt  }
0x7e: {  	_ =	shalt  }
0x7f: {  	_ =	shalt  }
0x80: {  	_ =	shalt  }
0x81: {  	_ =	shalt  }
0x82: {  	_ =	shalt  }
0x83: {  	_ =	shalt  }
0x84: {  	_ =	shalt  }
0x85: {  	_ =	shalt  }
0x86: {  	_ =	shalt  }
0x87: {  	_ =	shalt  }
.Lfunc_end0:
.L_simem_size_0:
called_computation.2_lowered:
.L_overlay_start_0:
0x88: {  	s2 =	sld [smem:$0x3FD9]  }
0x89: {  	s3 =	sld [smem:$0x3FFE];
	_ =	sdelay $0x1  }
0x8a: {  	s1 =	srdreg.scid  }
0x8b: {  	s0 =	sand.u32 $0x1, s1  }
0x8c: {  	s16 =	sshll.u32 s0, $0xA;
	s2 =	sadd.s32 s3, s2  }
0x8d: {  	s2 =	sadd.s32 s2, s16  }
0x8e: {  	[smem:$0x3FB5] =	sst s2  }
0x8f: {  	_ = 	snop  }
0x90: {  	(tm) =	ssettm $0x1  }
0x91: {  	s17 =	sld [smem:$0x3FFB];
	_ =	sdelay $0x3  }
0x92: {  	_ =	strace s17  }
0x93: {  	s2 =	sld [smem:$0x3FFC];
	_ =	sdelay $0x3  }
0x94: {  	_ =	strace s2  }
0x95: {  	s2 =	sld [smem:$0x3FFD];
	_ =	sdelay $0x3  }
0x96: {  	_ =	strace s2  }
0x97: {  	_ =	strace $0x8FFFFFFF  }
0x98: {  	s18 =	sld [smem:$0x3FDB];
	_ =	sdelay $0x1  }
0x99: {  	s19 =	simm.s32 $_scs_section_size  }
0x9a: {  	s4 =	simm.s32 $_size__tile_overlayer_lowered;
	s5 =	simm.s32 $_tile_overlayer_lowered  }
0x9b: {  	s22 =	simm.s32 $0x1BFF;
	s21 =	sshll.u32 s5, $0x1;
	s2 =	sadd.s32 s19, s18  }
0x9c: {  	s6 =	simm.s32 $0x0;
	s20 =	sshll.u32 s4, $0x1;
	s4 =	sadd.s32 s21, s2  }
0x9d: {  	[timem:s6], [sflag:s22] =	dma.local [hbm:s4], s20  }
0x9e: {  	_ =	swait.ge [sflag:s22], s20  }
0x9f: {  	s3 =	ssub.s32 $0x0, s20;
	[sflag:s22] =	ssyncset.done $0x0  }
0xa0: {  	[sflag:s22] =	ssyncadd.s32 s3;
	_ =	sdelay $0x1  }
0xa1: {  	s23 =	simm.s32 $0x1B8B  }
0xa2: {  	_ =	swait.ge [sflag:s23], $0x1  }
0xa3: {  	[sflag:s23] =	ssyncset.done $0x0  }
0xa4: {  	s25 =	simm.s32 $0x1B8E;
	s24 =	sld [smem:$0x3FFE];
	[sflag:s23] =	ssyncadd.s32 $0xFFFFFFFF  }
0xa5: {  	s26 =	simm.s32 $execute0_lowered;
	[smem:$0x3FD2] =	sst s25  }
0xa6: {  	s4 =	sshll.u32 s26, $0x1;
	_ =	strace $0x8000004C;
	[dreg:$0x1] =	wrdreg $0xFFFFFFFF  }
0xa7: {  	s28 =	simm.s32 $_size_execute0_lowered;
	s2 =	sadd.s32 s2, s4;
	[dreg:$0x0] =	wrdreg $0x0  }
0xa8: {  	s4 =	sshll.u32 s28, $0x1;
	[dreg:$0x2] =	wrdreg s2  }
0xa9: {  	[dreg:$0x3] =	wrdreg s4  }
0xaa: {  	[dreg:$0x4] =	wrdreg $0xC0  }
0xab: {  	_ =	task [dreg:s6], $0x5FFFF  }
0xac: {  	[dreg:$0x1] =	wrdreg $0xFFFFFFFF  }
0xad: {  	[dreg:$0x0] =	wrdreg $0x60  }
0xae: {  	[dreg:$0x2] =	wrdreg s24  }
0xaf: {  	[dreg:$0x3] =	wrdreg $0x41000  }
0xb0: {  	[dreg:$0x4] =	wrdreg $0x9  }
0xb1: {  	_ =	task.clear_ibuf [dreg:s6], $0x5FFFF;
	_ =	strace $0x9000004C  }
0xb2: {  	s29 =	simm.s32 $0x9;
	_ =	strace $0x8000004E  }
0xb3: {  	_ =	swait.ge [sflag:s29], $0x1  }
0xb4: {  	[sflag:s29] =	ssyncadd.s32 $0xFFFFFFFF  }
0xb5: {  	_ =	strace $0x9000004E  }
0xb6: {  	_ =	sfence  }
0xb7: {  	s30 =	sld [smem:$0x0];
	_ =	sdelay $0x2  }
0xb8: {  	s31 =	sshll.u32 s1, $0xD;
	s1 =	sshrl.u32 s1, $0x2  }
0xb9: {  	s3 =	sand.u32 $0x4000, s31;
	s1 =	sadd.s32 s1, s30  }
0xba: {  	s0 =	sor.u32 s3, s0;
	s1 =	sshll.u32 s1, $0x11  }
0xbb: {  	s0 =	sor.u32 s1, s0  }
0xbc: {  	s0 =	sadd.s32 $0x8F2B, s0  }
0xbd: {  	[sflag:s0] =	ssyncadd.remote.s32 $0x1  }
0xbe: {  	_ =	sfence.sel $0xFFFF  }
0xbf: {  	[dreg:$0x0] =	wrdreg $0xFFFFFFFF;
	(pc) =	sbr.abs _section_cstart, $3  }
0xc0: {  	[dreg:$0x1] =	wrdreg $0xFFFFFFFF  }
0xc1: {  	_ =	task.clear_ibuf [dreg:s6], $0x2FFFF;
	_ =	strace $0x9FFFFFFF  }
0xc2: {  	(tm) =	ssettm $0x7FFFFFFF  }
0xc3: {  	_ =	shalt  }
tec
execute0_lowered:
.L_overlay_start_1:
0x0: {  	(tag) =	ssettag $0x1  }
0x1: {  	s5 =	rddreg [dreg:$0x0];
	s0 =	srdreg.scid  }
0x2: {  	s2 =	rddreg [dreg:$0x1];
	s1 =	stileid.u32  }
0x3: {  	s3 =	simm.s32 $0x0;
	s13 =	simm.s32 $0x80;
	s8 =	smul.u32 $0x13C00, s1  }
0x4: {  	s14 =	simm.s32 $0x100;
	s15 =	simm.s32 $0x1;
	s26 =	smul.u32 $0x4F000, s1  }
0x5: {  	s6 =	sand.u32 $0x1, s0;
	s0 =	rddreg [dreg:$0x2];
	s30 =	smul.u32 $0x4F0, s1  }
0x6: {  	s16 =	simm.s32 $0x0;
	[smem:$0x7FF] =	sst s3;
	s7 =	smul.u32 $0x4F00, s6  }
0x7: {  	s4 =	sadd.s32 $0x40A00, s5;
	s31 =	sshll.u32 s1, $0x6;
	s9 =	smul.u32 $0x13C000, s6  }
0x8: {  	_ =	strace $0x8000004D;
	s6 =	ssub.s32 $0x2, s6;
	s25 =	sshrl.u32 s8, $0x3  }
0x9: {  	s28 =	sshrl.u32 s6, $0x1;
	s29 =	sshrl.u32 s26, $0x2;
	s10 =	sadd.s32 s7, s5  }
0xa: {  	s8 =	sadd.s32 s8, s9;
	s7 =	sadd.s32 s25, s5;
	s11 =	ssub.s32 s6, s28  }
0xb: {  	s12 =	sadd.s32 s29, s2;
	s6 =	sor.u32 $0x1C02, s31;
	s8 =	sshrl.u32 s8, $0x3  }
0xc: {  	s10 =	sadd.s32 s30, s10;
	s8 =	sadd.s32 s8, s5;
	s5 =	sadd.s32 $0x19200, s7  }
0xd: {  	s9 =	sadd.s32 $0xF400, s10;
	s10 =	sadd.s32 $0x5600, s10;
	s7 =	sadd.s32 $0x68200, s8  }
0xe: {  	s8 =	smax.u32 s11, $0x1;
	s11 =	sshrl.u32 s12, $0x3;
	s12 =	simm.s32 $0x2  }
.LBB2_1:
0xf: {  	[spmem:s11], [sflag:s6] =	dma.local [hbm:s5], $0x2780  }
0x10: {  	_ =	swait.ge [sflag:s12], $0x2780  }
0x11: {  	[sflag:s12] =	ssyncset.done $0x0  }
0x12: {  	[sflag:s12] =	ssyncadd.s32 $0xFFFFD880  }
0x13: {  	s17 =	sadd.s32 $0x0, s10;
	[bflag:$0x0] =	sbarrier.arrive $0xFFFF  }
0x14: {  	[tilespmem:s3], [sflag:$0x2] =	stream.linear.gather [hbm4b:s17+s3], $0x80, $0x38;
	[tilespmem:$0x17D00] =	vst v63  }
0x15: {  	_ =	swait.ge [sflag:s12], $0x80  }
0x16: {  	[sflag:s12] =	ssyncset.done $0x0  }
0x17: {  	s31 =	sadd.s32 $0x0, s9;
	[sflag:s12] =	ssyncadd.s32 $0xFFFFFF80  }
0x18: {  	[tilespmem:s13], [sflag:$0x2] =	stream.linear.gather [hbm4b:s31+s3], $0x80, $0x38;
	[tilespmem:$0x17D00] =	vst v63  }
0x19: {  	_ =	swait.ge [sflag:s12], $0x80  }
0x1a: {  	[sflag:s12] =	ssyncset.done $0x0  }
0x1b: {  	[sflag:s12] =	ssyncadd.s32 $0xFFFFFF80  }
0x1c: {  	[tilespmem:s14], [sflag:$0x1] =	stream.indirect.gather [hbm4b:s4+s13], $0x80, s3, s13, $0xb8;
	[tilespmem:$0x17D00] =	vst v63  }
0x1d: {  	_ =	swait.ge [sflag:s15], $0x4000  }
0x1e: {  	[sflag:s15] =	ssyncset.done $0x0  }
0x1f: {  	[sflag:s15] =	ssyncadd.s32 $0xFFFFC000  }
0x20: {  	[spmem:s2] =	stream.indirect.scatter.add.f32 [tilespmem:s14], [sflag:$0x2], $0x80, s13, s13, $0xb8;
	[tilespmem:$0x17D00] =	vst v63  }
0x21: {  	_ =	swait.ge [sflag:s12], $0x4000  }
0x22: {  	s18 =	simm.s32 $0x20;
	s17 =	simm.s32 $0x10;
	[sflag:s12] =	ssyncset.done $0x0  }
.LBB2_2:
0x23: {  	s19 =	sadd.s32 s17, s10  }
0x24: {  	[sflag:s12] =	ssyncadd.s32 $0xFFFFC000;
	s20 =	smov.u32 s18;
	s21 =	sadd.s32 $0x10, s18  }
0x25: {  	[tilespmem:s3], [sflag:$0x2] =	stream.linear.gather [hbm4b:s19+s3], $0x80, $0x38;
	[tilespmem:$0x17D00] =	vst v63  }
0x26: {  	p0 =	sne.s32 s18, $0x4E0;
	_ =	swait.ge [sflag:s12], $0x80  }
0x27: {  	[sflag:s12] =	ssyncset.done $0x0  }
0x28: {  	s18 =	sadd.s32 s17, s9;
	s17 =	smov.u32 s20;
	[sflag:s12] =	ssyncadd.s32 $0xFFFFFF80  }
0x29: {  	[tilespmem:s13], [sflag:$0x2] =	stream.linear.gather [hbm4b:s18+s3], $0x80, $0x38;
	[tilespmem:$0x17D00] =	vst v63  }
0x2a: {  	_ =	swait.ge [sflag:s12], $0x80  }
0x2b: {  	[sflag:s12] =	ssyncset.done $0x0  }
0x2c: {  	[sflag:s12] =	ssyncadd.s32 $0xFFFFFF80  }
0x2d: {  	[tilespmem:s14], [sflag:$0x1] =	stream.indirect.gather [hbm4b:s4+s13], $0x80, s3, s13, $0xb8;
	[tilespmem:$0x17D00] =	vst v63  }
0x2e: {  	_ =	swait.ge [sflag:s15], $0x4000  }
.Ltmp0:
0x2f: {  	[sflag:s15] =	ssyncset.done $0x0;
	(pc) =	sbr.rel @p0 .LBB2_2-.Ltmp0, $4  }
0x30: {  	[sflag:s15] =	ssyncadd.s32 $0xFFFFC000  }
0x31: {  	[spmem:s2] =	stream.indirect.scatter.add.f32 [tilespmem:s14], [sflag:$0x2], $0x80, s13, s13, $0xb8;
	[tilespmem:$0x17D00] =	vst v63  }
0x32: {  	_ =	swait.ge [sflag:s12], $0x4000  }
0x33: {  	s18 =	smov.u32 s21;
	[sflag:s12] =	ssyncset.done $0x0  }
0x34: {  	s18 =	sadd.s32 s17, s10;
	[sflag:s12] =	ssyncadd.s32 $0xFFFFC000  }
0x35: {  	[tilespmem:s3], [sflag:$0x2] =	stream.linear.gather [hbm4b:s18+s3], $0x80, $0x38;
	[tilespmem:$0x17D00] =	vst v63  }
0x36: {  	_ =	swait.ge [sflag:s12], $0x80  }
0x37: {  	[sflag:s12] =	ssyncset.done $0x0  }
0x38: {  	s31 =	sadd.s32 s17, s9;
	[sflag:s12] =	ssyncadd.s32 $0xFFFFFF80  }
0x39: {  	[tilespmem:s13], [sflag:$0x2] =	stream.linear.gather [hbm4b:s31+s3], $0x80, $0x38;
	[tilespmem:$0x17D00] =	vst v63  }
0x3a: {  	_ =	swait.ge [sflag:s12], $0x80  }
0x3b: {  	[sflag:s12] =	ssyncset.done $0x0  }
0x3c: {  	[sflag:s12] =	ssyncadd.s32 $0xFFFFFF80  }
0x3d: {  	[tilespmem:s14], [sflag:$0x1] =	stream.indirect.gather [hbm4b:s4+s13], $0x80, s3, s13, $0xb8;
	[tilespmem:$0x17D00] =	vst v63  }
0x3e: {  	_ =	swait.ge [sflag:s15], $0x4000  }
0x3f: {  	[sflag:s15] =	ssyncset.done $0x0  }
0x40: {  	[sflag:s15] =	ssyncadd.s32 $0xFFFFC000  }
0x41: {  	[spmem:s2] =	stream.indirect.scatter.add.f32 [tilespmem:s14], [sflag:$0x2], $0x80, s13, s13, $0xb8;
	[tilespmem:$0x17D00] =	vst v63  }
0x42: {  	_ =	swait.ge [sflag:s12], $0x4000  }
0x43: {  	s16 =	sadd.s32 $0x1, s16;
	[sflag:s12] =	ssyncset.done $0x0  }
0x44: {  	p0 =	sne.s32 s16, s8;
	[sflag:s12] =	ssyncadd.s32 $0xFFFFC000  }
.Ltmp1:
0x45: {  	[bflag:$0x0] =	sbarrier.arrive $0xFFFF;
	(pc) =	sbr.rel @p0 .LBB2_1-.Ltmp1, $4  }
0x46: {  	[hbm:s7], [sflag:s6] =	dma.local [spmem:s11], $0x2780  }
0x47: {  	_ =	swait.ge [sflag:s12], $0x2780  }
0x48: {  	[sflag:s12] =	ssyncset.done $0x0  }
0x49: {  	[sflag:s12] =	ssyncadd.s32 $0xFFFFD880  }
0x4a: {  	_ =	sfence.sel $0x180000  }
0x4b: {  	[bflag:$0x0] =	sbarrier.arrive $0xFFFF  }
0x4c: {  	p0 =	sne.s32 s1, $0x0;
	_ =	strace $0x9000004D  }
0x4d: {  	s0 =	sadd.s32 @!p0 $0x100000, s0;
	[bflag:$0x2] =	sbarrier.arrive $0xFFFF  }
0x4e: {  	[sflag:s0] =	ssyncadd.tile.s32 @!p0 $0x1;
	_ =	shalt  }
.Lfunc_end2:
_tile_overlayer_lowered:
.L_overlay_start_2:
0x4f: {  	(tag) =	ssettag $0x2  }
0x50: {  	s0 =	rddreg [dreg:$0x0];
	s2 =	stileid.u32  }
0x51: {  	s1 =	rddreg [dreg:$0x1];
	p0 =	sne.s32 s2, $0x0  }
0x52: {  	s3 =	rddreg [dreg:$0x2];
	[bflag:$0x3] =	sbarrier.arrive $0xFFFF;
	s2 =	simm.s32 @!p0 $0x1C02  }
0x53: {  	[timem:s3], [sflag:s2] =	dma.local @!p0 [hbm:s0], s1  }
0x54: {  	s0 =	simm.s32 @!p0 $0x2  }
0x55: {  	_ =	swait.ge @!p0 [sflag:s0], s1  }
0x56: {  	s1 =	ssub.s32 @!p0 $0x0, s1;
	[sflag:s0] =	ssyncset.done @!p0 $0x0  }
0x57: {  	[sflag:s0] =	ssyncadd.s32 @!p0 s1  }
0x58: {  	[bflag:$0x3] =	sbarrier.arrive $0xFFFF  }
0x59: {  	_ =	shalt  }

// kernel: kernel.21.cloned.1.call-start
scs
__scs_entry_jumppad:
0x0: {  	(pc) =	sbr.rel $0x88, $3  }
0x1: {  	(tag) =	ssettag $0x0;
	lr =	simm.s32 $0x1  }
0x2: {  	[smem:$0x3F8E] =	sst lr;
	_ =	strace $0xD0000000  }
0x3: {  	_ = 	snop  }
0x4: {  	_ = 	snop  }
0x5: {  	_ = 	snop  }
0x6: {  	_ = 	snop  }
0x7: {  	_ = 	snop  }
__scs_overlays_trampoline_lowered:
0x8: {  	[smem:$0x3F9D] =	sst s0  }
0x9: {  	[smem:$0x3F9E] =	sst s1  }
0xa: {  	[smem:$0x3F9F] =	sst s2  }
0xb: {  	[smem:$0x3FA0] =	sst s3  }
0xc: {  	[smem:$0x3FA1] =	sst s4  }
0xd: {  	[smem:$0x3FA2] =	sst s5  }
0xe: {  	[smem:$0x3FA3] =	sst s6  }
0xf: {  	[smem:$0x3FA4] =	sst s7  }
0x10: {  	[smem:$0x3FA5] =	sst s8  }
0x11: {  	[smem:$0x3FA6] =	sst s9;
	s0 =	simm.s32 @!p0 $0x0  }
0x12: {  	s1 =	sld [smem:$0x3F8C];
	s0 =	simm.s32 @p0 $0x1  }
0x13: {  	[smem:$0x3FA7] =	sst s0;
	s0 =	simm.s32 @!p1 $0x0  }
0x14: {  	s2 =	sld [smem:$0x3F8B];
	s0 =	simm.s32 @p1 $0x1  }
0x15: {  	[smem:$0x3FA8] =	sst s0;
	s0 =	simm.s32 @!p2 $0x0  }
0x16: {  	s3 =	sld [smem:$0x3FDB];
	s0 =	simm.s32 @p2 $0x1  }
0x17: {  	s4 =	simm.s32 $0x1BF5;
	[smem:$0x3FAA] =	sst s0  }
0x18: {  	s0 =	sld [smem:$0x3F8D];
	_ =	swait.ge [sflag:s4], $0x0  }
0x19: {  	s7 =	sld [smem:$0x3F8E]  }
0x1a: {  	s8 =	sadd.s32 $0xFFFFE003, lr  }
0x1b: {  	s9 =	sadd.s32 $0xFFFFFEF7, lr;
	s5 =	simm.s32 $0xFFFFFFFF;
	p2 =	slt.u32 s8, $0xFFFFF086  }
0x1c: {  	p1 =	slt.u32 s9, $0xF7A;
	s5 =	simm.s32 @!p2 $0x0  }
0x1d: {  	s5 =	simm.s32 @p1 $0x1;
	p0 =	seq.s32 s7, s2  }
0x1e: {  	s7 =	smul.u32 @!p0 $0xF7A, s2;
	p2 =	seq.s32 @!p0 s5, $0x0  }
0x1f: {  	s9 =	smul.u32 $0xF7A, s1;
	s8 =	simm.s32 @!p0 $0x1BF5;
	p2 =	por !p2, p0  }
0x20: {  	[sflag:s8] =	ssyncset.s32 @!p0 $0xFFFFF086;
	s6 =	sadd.s32 @!p0 s3, s7;
	s7 =	simm.s32 @!p0 $0x108  }
0x21: {  	s3 =	sadd.s32 s3, s9;
	s6 =	sadd.s32 @!p0 $0x88, s6;
	s7 =	simm.s32 @p2 $0x1082  }
0x22: {  	[simem:s7], [sflag:s8] =	dma.local @!p0 [hbm:s6], $0xF7A  }
0x23: {  	s9 =	sor.u32 $0xD0000000, s2;
	s6 =	simm.s32 $0x108;
	_ =	swait.ge @!p0 [sflag:s8], $0x0  }
0x24: {  	s3 =	sadd.s32 $0x88, s3;
	s6 =	simm.s32 @!p1 $0x1082;
	[sflag:s4] =	ssyncset.s32 $0xFFFFF086  }
0x25: {  	[simem:s6], [sflag:s4] =	dma.local [hbm:s3], $0xF7A  }
0x26: {  	[smem:$0x3F8E] =	sst s1;
	(tag) =	ssettag s2;
	_ =	strace s9  }
0x27: {  	s1 =	sld [smem:$0x3F9E]  }
0x28: {  	s2 =	sld [smem:$0x3F9F]  }
0x29: {  	s4 =	sld [smem:$0x3FA1]  }
0x2a: {  	p0 =	seq.s32 s5, $0x0;
	s5 =	sld [smem:$0x3FA2]  }
0x2b: {  	s6 =	sld [smem:$0x3FA3]  }
0x2c: {  	s7 =	sld [smem:$0x3FA4]  }
0x2d: {  	s3 =	simm.s32 $0x108;
	s8 =	sld [smem:$0x3FA5]  }
0x2e: {  	s3 =	simm.s32 @!p0 $0x1082;
	s9 =	sld [smem:$0x3FA6]  }
0x2f: {  	lr =	sadd.s32 s0, s3;
	s0 =	sld [smem:$0x3F9D]  }
0x30: {  	s3 =	sld [smem:$0x3FA0]  }
0x31: {  	[smem:$0x3FA9] =	sst s10  }
0x32: {  	s10 =	sld [smem:$0x3FA7];
	_ =	sdelay $0x3  }
0x33: {  	p0 =	seq.s32 s10, $0x1;
	s10 =	sld [smem:$0x3FA9];
	_ =	sdelay $0x3  }
0x34: {  	[smem:$0x3FA9] =	sst s10  }
0x35: {  	s10 =	sld [smem:$0x3FA8];
	_ =	sdelay $0x3  }
0x36: {  	p1 =	seq.s32 s10, $0x1;
	s10 =	sld [smem:$0x3FA9];
	_ =	sdelay $0x3  }
0x37: {  	[smem:$0x3FA9] =	sst s10  }
0x38: {  	s10 =	sld [smem:$0x3FAA]  }
0x39: {  	_ = 	snop;
	(pc) =	sbr.ind lr, $3  }
0x3a: {  	_ = 	snop  }
0x3b: {  	_ = 	snop  }
0x3c: {  	p2 =	seq.s32 s10, $0x1;
	s10 =	sld [smem:$0x3FA9]  }
0x3d: {  	_ =	shalt  }
0x3e: {  	_ =	shalt  }
0x3f: {  	_ =	shalt  }
0x40: {  	_ =	shalt  }
0x41: {  	_ =	shalt  }
0x42: {  	_ =	shalt  }
0x43: {  	_ =	shalt  }
0x44: {  	_ =	shalt  }
0x45: {  	_ =	shalt  }
0x46: {  	_ =	shalt  }
0x47: {  	_ =	shalt  }
0x48: {  	_ =	shalt  }
0x49: {  	_ =	shalt  }
0x4a: {  	_ =	shalt  }
0x4b: {  	_ =	shalt  }
0x4c: {  	_ =	shalt  }
0x4d: {  	_ =	shalt  }
0x4e: {  	_ =	shalt  }
0x4f: {  	_ =	shalt  }
0x50: {  	_ =	shalt  }
0x51: {  	_ =	shalt  }
0x52: {  	_ =	shalt  }
0x53: {  	_ =	shalt  }
0x54: {  	_ =	shalt  }
0x55: {  	_ =	shalt  }
0x56: {  	_ =	shalt  }
0x57: {  	_ =	shalt  }
0x58: {  	_ =	shalt  }
0x59: {  	_ =	shalt  }
0x5a: {  	_ =	shalt  }
0x5b: {  	_ =	shalt  }
0x5c: {  	_ =	shalt  }
0x5d: {  	_ =	shalt  }
0x5e: {  	_ =	shalt  }
0x5f: {  	_ =	shalt  }
0x60: {  	_ =	shalt  }
0x61: {  	_ =	shalt  }
0x62: {  	_ =	shalt  }
0x63: {  	_ =	shalt  }
0x64: {  	_ =	shalt  }
0x65: {  	_ =	shalt  }
0x66: {  	_ =	shalt  }
0x67: {  	_ =	shalt  }
0x68: {  	_ =	shalt  }
0x69: {  	_ =	shalt  }
0x6a: {  	_ =	shalt  }
0x6b: {  	_ =	shalt  }
0x6c: {  	_ =	shalt  }
0x6d: {  	_ =	shalt  }
0x6e: {  	_ =	shalt  }
0x6f: {  	_ =	shalt  }
0x70: {  	_ =	shalt  }
0x71: {  	_ =	shalt  }
0x72: {  	_ =	shalt  }
0x73: {  	_ =	shalt  }
0x74: {  	_ =	shalt  }
0x75: {  	_ =	shalt  }
0x76: {  	_ =	shalt  }
0x77: {  	_ =	shalt  }
0x78: {  	_ =	shalt  }
0x79: {  	_ =	shalt  }
0x7a: {  	_ =	shalt  }
0x7b: {  	_ =	shalt  }
0x7c: {  	_ =	shalt  }
0x7d: {  	_ =	shalt  }
0x7e: {  	_ =	shalt  }
0x7f: {  	_ =	shalt  }
0x80: {  	_ =	shalt  }
0x81: {  	_ =	shalt  }
0x82: {  	_ =	shalt  }
0x83: {  	_ =	shalt  }
0x84: {  	_ =	shalt  }
0x85: {  	_ =	shalt  }
0x86: {  	_ =	shalt  }
0x87: {  	_ =	shalt  }
.Lfunc_end0:
.L_simem_size_0:
called_computation.3_lowered:
.L_overlay_start_0:
0x88: {  	s2 =	sld [smem:$0x3FD9]  }
0x89: {  	s3 =	sld [smem:$0x3FFE];
	_ =	sdelay $0x1  }
0x8a: {  	s1 =	srdreg.scid  }
0x8b: {  	s0 =	sand.u32 $0x1, s1  }
0x8c: {  	s16 =	sshll.u32 s0, $0xA;
	s2 =	sadd.s32 s3, s2  }
0x8d: {  	s2 =	sadd.s32 s2, s16  }
0x8e: {  	[smem:$0x3FB5] =	sst s2  }
0x8f: {  	_ = 	snop  }
0x90: {  	(tm) =	ssettm $0x1  }
0x91: {  	s17 =	sld [smem:$0x3FFB];
	_ =	sdelay $0x3  }
0x92: {  	_ =	strace s17  }
0x93: {  	s2 =	sld [smem:$0x3FFC];
	_ =	sdelay $0x3  }
0x94: {  	_ =	strace s2  }
0x95: {  	s2 =	sld [smem:$0x3FFD];
	_ =	sdelay $0x3  }
0x96: {  	_ =	strace s2  }
0x97: {  	_ =	strace $0x8FFFFFFF  }
0x98: {  	s18 =	sld [smem:$0x3FDB];
	_ =	sdelay $0x1  }
0x99: {  	s19 =	simm.s32 $_scs_section_size  }
0x9a: {  	s4 =	simm.s32 $_size__tile_overlayer_lowered;
	s5 =	simm.s32 $_tile_overlayer_lowered  }
0x9b: {  	s22 =	simm.s32 $0x1BFF;
	s21 =	sshll.u32 s5, $0x1;
	s2 =	sadd.s32 s19, s18  }
0x9c: {  	s6 =	simm.s32 $0x0;
	s20 =	sshll.u32 s4, $0x1;
	s4 =	sadd.s32 s21, s2  }
0x9d: {  	[timem:s6], [sflag:s22] =	dma.local [hbm:s4], s20  }
0x9e: {  	_ =	swait.ge [sflag:s22], s20  }
0x9f: {  	s3 =	ssub.s32 $0x0, s20;
	[sflag:s22] =	ssyncset.done $0x0  }
0xa0: {  	[sflag:s22] =	ssyncadd.s32 s3;
	_ =	sdelay $0x1  }
0xa1: {  	s23 =	simm.s32 $0x1B8B  }
0xa2: {  	_ =	swait.ge [sflag:s23], $0x1  }
0xa3: {  	[sflag:s23] =	ssyncset.done $0x0  }
0xa4: {  	s25 =	simm.s32 $0x1B8E;
	s24 =	sld [smem:$0x3FFE];
	[sflag:s23] =	ssyncadd.s32 $0xFFFFFFFF  }
0xa5: {  	s26 =	simm.s32 $execute0_lowered;
	[smem:$0x3FD2] =	sst s25  }
0xa6: {  	s4 =	sshll.u32 s26, $0x1;
	_ =	strace $0x8000004F;
	[dreg:$0x1] =	wrdreg $0xFFFFFFFF  }
0xa7: {  	s28 =	simm.s32 $_size_execute0_lowered;
	s2 =	sadd.s32 s2, s4;
	[dreg:$0x0] =	wrdreg $0x0  }
0xa8: {  	s4 =	sshll.u32 s28, $0x1;
	[dreg:$0x2] =	wrdreg s2  }
0xa9: {  	[dreg:$0x3] =	wrdreg s4  }
0xaa: {  	[dreg:$0x4] =	wrdreg $0xC0  }
0xab: {  	_ =	task [dreg:s6], $0x5FFFF  }
0xac: {  	[dreg:$0x1] =	wrdreg $0xFFFFFFFF  }
0xad: {  	[dreg:$0x0] =	wrdreg $0x60  }
0xae: {  	[dreg:$0x2] =	wrdreg s24  }
0xaf: {  	[dreg:$0x3] =	wrdreg $0x41000  }
0xb0: {  	[dreg:$0x4] =	wrdreg $0x9  }
0xb1: {  	_ =	task.clear_ibuf [dreg:s6], $0x5FFFF;
	_ =	strace $0x9000004F  }
0xb2: {  	s29 =	simm.s32 $0x9;
	_ =	strace $0x80000051  }
0xb3: {  	_ =	swait.ge [sflag:s29], $0x1  }
0xb4: {  	[sflag:s29] =	ssyncadd.s32 $0xFFFFFFFF  }
0xb5: {  	_ =	strace $0x90000051  }
0xb6: {  	_ =	sfence  }
0xb7: {  	s30 =	sld [smem:$0x0];
	_ =	sdelay $0x2  }
0xb8: {  	s31 =	sshll.u32 s1, $0xD;
	s1 =	sshrl.u32 s1, $0x2  }
0xb9: {  	s3 =	sand.u32 $0x4000, s31;
	s1 =	sadd.s32 s1, s30  }
0xba: {  	s0 =	sor.u32 s3, s0;
	s1 =	sshll.u32 s1, $0x11  }
0xbb: {  	s0 =	sor.u32 s1, s0  }
0xbc: {  	s0 =	sadd.s32 $0x8F2B, s0  }
0xbd: {  	[sflag:s0] =	ssyncadd.remote.s32 $0x1  }
0xbe: {  	_ =	sfence.sel $0xFFFF  }
0xbf: {  	[dreg:$0x0] =	wrdreg $0xFFFFFFFF;
	(pc) =	sbr.abs _section_cstart, $3  }
0xc0: {  	[dreg:$0x1] =	wrdreg $0xFFFFFFFF  }
0xc1: {  	_ =	task.clear_ibuf [dreg:s6], $0x2FFFF;
	_ =	strace $0x9FFFFFFF  }
0xc2: {  	(tm) =	ssettm $0x7FFFFFFF  }
0xc3: {  	_ =	shalt  }
tec
execute0_lowered:
.L_overlay_start_1:
0x0: {  	(tag) =	ssettag $0x1  }
0x1: {  	s5 =	rddreg [dreg:$0x0];
	s0 =	srdreg.scid  }
0x2: {  	s2 =	rddreg [dreg:$0x1];
	s1 =	stileid.u32  }
0x3: {  	s3 =	simm.s32 $0x0;
	s13 =	simm.s32 $0x80;
	s8 =	smul.u32 $0x13C00, s1  }
0x4: {  	s14 =	simm.s32 $0x100;
	s15 =	simm.s32 $0x1;
	s26 =	smul.u32 $0x4F000, s1  }
0x5: {  	s6 =	sand.u32 $0x1, s0;
	s0 =	rddreg [dreg:$0x2];
	s30 =	smul.u32 $0x4F0, s1  }
0x6: {  	s16 =	simm.s32 $0x0;
	[smem:$0x7FF] =	sst s3;
	s7 =	smul.u32 $0x4F00, s6  }
0x7: {  	s4 =	sadd.s32 $0x40A00, s5;
	s31 =	sshll.u32 s1, $0x6;
	s9 =	smul.u32 $0x13C000, s6  }
0x8: {  	_ =	strace $0x80000050;
	s6 =	ssub.s32 $0x2, s6;
	s25 =	sshrl.u32 s8, $0x3  }
0x9: {  	s28 =	sshrl.u32 s6, $0x1;
	s29 =	sshrl.u32 s26, $0x2;
	s10 =	sadd.s32 s7, s5  }
0xa: {  	s8 =	sadd.s32 s8, s9;
	s7 =	sadd.s32 s25, s5;
	s11 =	ssub.s32 s6, s28  }
0xb: {  	s12 =	sadd.s32 s29, s2;
	s6 =	sor.u32 $0x1C02, s31;
	s8 =	sshrl.u32 s8, $0x3  }
0xc: {  	s10 =	sadd.s32 s30, s10;
	s8 =	sadd.s32 s8, s5;
	s5 =	sadd.s32 $0x19200, s7  }
0xd: {  	s9 =	sadd.s32 $0xF400, s10;
	s10 =	sadd.s32 $0x5600, s10;
	s7 =	sadd.s32 $0x68200, s8  }
0xe: {  	s8 =	smax.u32 s11, $0x1;
	s11 =	sshrl.u32 s12, $0x3;
	s12 =	simm.s32 $0x2  }
.LBB2_1:
0xf: {  	[spmem:s11], [sflag:s6] =	dma.local [hbm:s5], $0x2780  }
0x10: {  	_ =	swait.ge [sflag:s12], $0x2780  }
0x11: {  	[sflag:s12] =	ssyncset.done $0x0  }
0x12: {  	[sflag:s12] =	ssyncadd.s32 $0xFFFFD880  }
0x13: {  	s17 =	sadd.s32 $0x0, s10;
	[bflag:$0x0] =	sbarrier.arrive $0xFFFF  }
0x14: {  	[tilespmem:s3], [sflag:$0x2] =	stream.linear.gather [hbm4b:s17+s3], $0x80, $0x38;
	[tilespmem:$0x17D00] =	vst v63  }
0x15: {  	_ =	swait.ge [sflag:s12], $0x80  }
0x16: {  	[sflag:s12] =	ssyncset.done $0x0  }
0x17: {  	s31 =	sadd.s32 $0x0, s9;
	[sflag:s12] =	ssyncadd.s32 $0xFFFFFF80  }
0x18: {  	[tilespmem:s13], [sflag:$0x2] =	stream.linear.gather [hbm4b:s31+s3], $0x80, $0x38;
	[tilespmem:$0x17D00] =	vst v63  }
0x19: {  	_ =	swait.ge [sflag:s12], $0x80  }
0x1a: {  	[sflag:s12] =	ssyncset.done $0x0  }
0x1b: {  	[sflag:s12] =	ssyncadd.s32 $0xFFFFFF80  }
0x1c: {  	[tilespmem:s14], [sflag:$0x1] =	stream.indirect.gather [hbm4b:s4+s13], $0x80, s3, s13, $0xb8;
	[tilespmem:$0x17D00] =	vst v63  }
0x1d: {  	_ =	swait.ge [sflag:s15], $0x4000  }
0x1e: {  	[sflag:s15] =	ssyncset.done $0x0  }
0x1f: {  	[sflag:s15] =	ssyncadd.s32 $0xFFFFC000  }
0x20: {  	[spmem:s2] =	stream.indirect.scatter.add.f32 [tilespmem:s14], [sflag:$0x2], $0x80, s13, s13, $0xb8;
	[tilespmem:$0x17D00] =	vst v63  }
0x21: {  	_ =	swait.ge [sflag:s12], $0x4000  }
0x22: {  	s18 =	simm.s32 $0x20;
	s17 =	simm.s32 $0x10;
	[sflag:s12] =	ssyncset.done $0x0  }
.LBB2_2:
0x23: {  	s19 =	sadd.s32 s17, s10  }
0x24: {  	[sflag:s12] =	ssyncadd.s32 $0xFFFFC000;
	s20 =	smov.u32 s18;
	s21 =	sadd.s32 $0x10, s18  }
0x25: {  	[tilespmem:s3], [sflag:$0x2] =	stream.linear.gather [hbm4b:s19+s3], $0x80, $0x38;
	[tilespmem:$0x17D00] =	vst v63  }
0x26: {  	p0 =	sne.s32 s18, $0x4E0;
	_ =	swait.ge [sflag:s12], $0x80  }
0x27: {  	[sflag:s12] =	ssyncset.done $0x0  }
0x28: {  	s18 =	sadd.s32 s17, s9;
	s17 =	smov.u32 s20;
	[sflag:s12] =	ssyncadd.s32 $0xFFFFFF80  }
0x29: {  	[tilespmem:s13], [sflag:$0x2] =	stream.linear.gather [hbm4b:s18+s3], $0x80, $0x38;
	[tilespmem:$0x17D00] =	vst v63  }
0x2a: {  	_ =	swait.ge [sflag:s12], $0x80  }
0x2b: {  	[sflag:s12] =	ssyncset.done $0x0  }
0x2c: {  	[sflag:s12] =	ssyncadd.s32 $0xFFFFFF80  }
0x2d: {  	[tilespmem:s14], [sflag:$0x1] =	stream.indirect.gather [hbm4b:s4+s13], $0x80, s3, s13, $0xb8;
	[tilespmem:$0x17D00] =	vst v63  }
0x2e: {  	_ =	swait.ge [sflag:s15], $0x4000  }
.Ltmp0:
0x2f: {  	[sflag:s15] =	ssyncset.done $0x0;
	(pc) =	sbr.rel @p0 .LBB2_2-.Ltmp0, $4  }
0x30: {  	[sflag:s15] =	ssyncadd.s32 $0xFFFFC000  }
0x31: {  	[spmem:s2] =	stream.indirect.scatter.add.f32 [tilespmem:s14], [sflag:$0x2], $0x80, s13, s13, $0xb8;
	[tilespmem:$0x17D00] =	vst v63  }
0x32: {  	_ =	swait.ge [sflag:s12], $0x4000  }
0x33: {  	s18 =	smov.u32 s21;
	[sflag:s12] =	ssyncset.done $0x0  }
0x34: {  	s18 =	sadd.s32 s17, s10;
	[sflag:s12] =	ssyncadd.s32 $0xFFFFC000  }
0x35: {  	[tilespmem:s3], [sflag:$0x2] =	stream.linear.gather [hbm4b:s18+s3], $0x80, $0x38;
	[tilespmem:$0x17D00] =	vst v63  }
0x36: {  	_ =	swait.ge [sflag:s12], $0x80  }
0x37: {  	[sflag:s12] =	ssyncset.done $0x0  }
0x38: {  	s31 =	sadd.s32 s17, s9;
	[sflag:s12] =	ssyncadd.s32 $0xFFFFFF80  }
0x39: {  	[tilespmem:s13], [sflag:$0x2] =	stream.linear.gather [hbm4b:s31+s3], $0x80, $0x38;
	[tilespmem:$0x17D00] =	vst v63  }
0x3a: {  	_ =	swait.ge [sflag:s12], $0x80  }
0x3b: {  	[sflag:s12] =	ssyncset.done $0x0  }
0x3c: {  	[sflag:s12] =	ssyncadd.s32 $0xFFFFFF80  }
0x3d: {  	[tilespmem:s14], [sflag:$0x1] =	stream.indirect.gather [hbm4b:s4+s13], $0x80, s3, s13, $0xb8;
	[tilespmem:$0x17D00] =	vst v63  }
0x3e: {  	_ =	swait.ge [sflag:s15], $0x4000  }
0x3f: {  	[sflag:s15] =	ssyncset.done $0x0  }
0x40: {  	[sflag:s15] =	ssyncadd.s32 $0xFFFFC000  }
0x41: {  	[spmem:s2] =	stream.indirect.scatter.add.f32 [tilespmem:s14], [sflag:$0x2], $0x80, s13, s13, $0xb8;
	[tilespmem:$0x17D00] =	vst v63  }
0x42: {  	_ =	swait.ge [sflag:s12], $0x4000  }
0x43: {  	s16 =	sadd.s32 $0x1, s16;
	[sflag:s12] =	ssyncset.done $0x0  }
0x44: {  	p0 =	sne.s32 s16, s8;
	[sflag:s12] =	ssyncadd.s32 $0xFFFFC000  }
.Ltmp1:
0x45: {  	[bflag:$0x0] =	sbarrier.arrive $0xFFFF;
	(pc) =	sbr.rel @p0 .LBB2_1-.Ltmp1, $4  }
0x46: {  	[hbm:s7], [sflag:s6] =	dma.local [spmem:s11], $0x2780  }
0x47: {  	_ =	swait.ge [sflag:s12], $0x2780  }
0x48: {  	[sflag:s12] =	ssyncset.done $0x0  }
0x49: {  	[sflag:s12] =	ssyncadd.s32 $0xFFFFD880  }
0x4a: {  	_ =	sfence.sel $0x180000  }
0x4b: {  	[bflag:$0x0] =	sbarrier.arrive $0xFFFF  }
0x4c: {  	p0 =	sne.s32 s1, $0x0;
	_ =	strace $0x90000050  }
0x4d: {  	s0 =	sadd.s32 @!p0 $0x100000, s0;
	[bflag:$0x2] =	sbarrier.arrive $0xFFFF  }
0x4e: {  	[sflag:s0] =	ssyncadd.tile.s32 @!p0 $0x1;
	_ =	shalt  }
.Lfunc_end2:
_tile_overlayer_lowered:
.L_overlay_start_2:
0x4f: {  	(tag) =	ssettag $0x2  }
0x50: {  	s0 =	rddreg [dreg:$0x0];
	s2 =	stileid.u32  }
0x51: {  	s1 =	rddreg [dreg:$0x1];
	p0 =	sne.s32 s2, $0x0  }
0x52: {  	s3 =	rddreg [dreg:$0x2];
	[bflag:$0x3] =	sbarrier.arrive $0xFFFF;
	s2 =	simm.s32 @!p0 $0x1C02  }
0x53: {  	[timem:s3], [sflag:s2] =	dma.local @!p0 [hbm:s0], s1  }
0x54: {  	s0 =	simm.s32 @!p0 $0x2  }
0x55: {  	_ =	swait.ge @!p0 [sflag:s0], s1  }
0x56: {  	s1 =	ssub.s32 @!p0 $0x0, s1;
	[sflag:s0] =	ssyncset.done @!p0 $0x0  }
0x57: {  	[sflag:s0] =	ssyncadd.s32 @!p0 s1  }
0x58: {  	[bflag:$0x3] =	sbarrier.arrive $0xFFFF  }
0x59: {  	_ =	shalt  }

// kernel: kernel.24.cloned.1.call-start
scs
__scs_entry_jumppad:
0x0: {  	(pc) =	sbr.rel $0x88, $3  }
0x1: {  	(tag) =	ssettag $0x0;
	lr =	simm.s32 $0x1  }
0x2: {  	[smem:$0x3F8E] =	sst lr;
	_ =	strace $0xD0000000  }
0x3: {  	_ = 	snop  }
0x4: {  	_ = 	snop  }
0x5: {  	_ = 	snop  }
0x6: {  	_ = 	snop  }
0x7: {  	_ = 	snop  }
__scs_overlays_trampoline_lowered:
0x8: {  	[smem:$0x3F9D] =	sst s0  }
0x9: {  	[smem:$0x3F9E] =	sst s1  }
0xa: {  	[smem:$0x3F9F] =	sst s2  }
0xb: {  	[smem:$0x3FA0] =	sst s3  }
0xc: {  	[smem:$0x3FA1] =	sst s4  }
0xd: {  	[smem:$0x3FA2] =	sst s5  }
0xe: {  	[smem:$0x3FA3] =	sst s6  }
0xf: {  	[smem:$0x3FA4] =	sst s7  }
0x10: {  	[smem:$0x3FA5] =	sst s8  }
0x11: {  	[smem:$0x3FA6] =	sst s9;
	s0 =	simm.s32 @!p0 $0x0  }
0x12: {  	s1 =	sld [smem:$0x3F8C];
	s0 =	simm.s32 @p0 $0x1  }
0x13: {  	[smem:$0x3FA7] =	sst s0;
	s0 =	simm.s32 @!p1 $0x0  }
0x14: {  	s2 =	sld [smem:$0x3F8B];
	s0 =	simm.s32 @p1 $0x1  }
0x15: {  	[smem:$0x3FA8] =	sst s0;
	s0 =	simm.s32 @!p2 $0x0  }
0x16: {  	s3 =	sld [smem:$0x3FDB];
	s0 =	simm.s32 @p2 $0x1  }
0x17: {  	s4 =	simm.s32 $0x1BF5;
	[smem:$0x3FAA] =	sst s0  }
0x18: {  	s0 =	sld [smem:$0x3F8D];
	_ =	swait.ge [sflag:s4], $0x0  }
0x19: {  	s7 =	sld [smem:$0x3F8E]  }
0x1a: {  	s8 =	sadd.s32 $0xFFFFE003, lr  }
0x1b: {  	s9 =	sadd.s32 $0xFFFFFEF7, lr;
	s5 =	simm.s32 $0xFFFFFFFF;
	p2 =	slt.u32 s8, $0xFFFFF086  }
0x1c: {  	p1 =	slt.u32 s9, $0xF7A;
	s5 =	simm.s32 @!p2 $0x0  }
0x1d: {  	s5 =	simm.s32 @p1 $0x1;
	p0 =	seq.s32 s7, s2  }
0x1e: {  	s7 =	smul.u32 @!p0 $0xF7A, s2;
	p2 =	seq.s32 @!p0 s5, $0x0  }
0x1f: {  	s9 =	smul.u32 $0xF7A, s1;
	s8 =	simm.s32 @!p0 $0x1BF5;
	p2 =	por !p2, p0  }
0x20: {  	[sflag:s8] =	ssyncset.s32 @!p0 $0xFFFFF086;
	s6 =	sadd.s32 @!p0 s3, s7;
	s7 =	simm.s32 @!p0 $0x108  }
0x21: {  	s3 =	sadd.s32 s3, s9;
	s6 =	sadd.s32 @!p0 $0x88, s6;
	s7 =	simm.s32 @p2 $0x1082  }
0x22: {  	[simem:s7], [sflag:s8] =	dma.local @!p0 [hbm:s6], $0xF7A  }
0x23: {  	s9 =	sor.u32 $0xD0000000, s2;
	s6 =	simm.s32 $0x108;
	_ =	swait.ge @!p0 [sflag:s8], $0x0  }
0x24: {  	s3 =	sadd.s32 $0x88, s3;
	s6 =	simm.s32 @!p1 $0x1082;
	[sflag:s4] =	ssyncset.s32 $0xFFFFF086  }
0x25: {  	[simem:s6], [sflag:s4] =	dma.local [hbm:s3], $0xF7A  }
0x26: {  	[smem:$0x3F8E] =	sst s1;
	(tag) =	ssettag s2;
	_ =	strace s9  }
0x27: {  	s1 =	sld [smem:$0x3F9E]  }
0x28: {  	s2 =	sld [smem:$0x3F9F]  }
0x29: {  	s4 =	sld [smem:$0x3FA1]  }
0x2a: {  	p0 =	seq.s32 s5, $0x0;
	s5 =	sld [smem:$0x3FA2]  }
0x2b: {  	s6 =	sld [smem:$0x3FA3]  }
0x2c: {  	s7 =	sld [smem:$0x3FA4]  }
0x2d: {  	s3 =	simm.s32 $0x108;
	s8 =	sld [smem:$0x3FA5]  }
0x2e: {  	s3 =	simm.s32 @!p0 $0x1082;
	s9 =	sld [smem:$0x3FA6]  }
0x2f: {  	lr =	sadd.s32 s0, s3;
	s0 =	sld [smem:$0x3F9D]  }
0x30: {  	s3 =	sld [smem:$0x3FA0]  }
0x31: {  	[smem:$0x3FA9] =	sst s10  }
0x32: {  	s10 =	sld [smem:$0x3FA7];
	_ =	sdelay $0x3  }
0x33: {  	p0 =	seq.s32 s10, $0x1;
	s10 =	sld [smem:$0x3FA9];
	_ =	sdelay $0x3  }
0x34: {  	[smem:$0x3FA9] =	sst s10  }
0x35: {  	s10 =	sld [smem:$0x3FA8];
	_ =	sdelay $0x3  }
0x36: {  	p1 =	seq.s32 s10, $0x1;
	s10 =	sld [smem:$0x3FA9];
	_ =	sdelay $0x3  }
0x37: {  	[smem:$0x3FA9] =	sst s10  }
0x38: {  	s10 =	sld [smem:$0x3FAA]  }
0x39: {  	_ = 	snop;
	(pc) =	sbr.ind lr, $3  }
0x3a: {  	_ = 	snop  }
0x3b: {  	_ = 	snop  }
0x3c: {  	p2 =	seq.s32 s10, $0x1;
	s10 =	sld [smem:$0x3FA9]  }
0x3d: {  	_ =	shalt  }
0x3e: {  	_ =	shalt  }
0x3f: {  	_ =	shalt  }
0x40: {  	_ =	shalt  }
0x41: {  	_ =	shalt  }
0x42: {  	_ =	shalt  }
0x43: {  	_ =	shalt  }
0x44: {  	_ =	shalt  }
0x45: {  	_ =	shalt  }
0x46: {  	_ =	shalt  }
0x47: {  	_ =	shalt  }
0x48: {  	_ =	shalt  }
0x49: {  	_ =	shalt  }
0x4a: {  	_ =	shalt  }
0x4b: {  	_ =	shalt  }
0x4c: {  	_ =	shalt  }
0x4d: {  	_ =	shalt  }
0x4e: {  	_ =	shalt  }
0x4f: {  	_ =	shalt  }
0x50: {  	_ =	shalt  }
0x51: {  	_ =	shalt  }
0x52: {  	_ =	shalt  }
0x53: {  	_ =	shalt  }
0x54: {  	_ =	shalt  }
0x55: {  	_ =	shalt  }
0x56: {  	_ =	shalt  }
0x57: {  	_ =	shalt  }
0x58: {  	_ =	shalt  }
0x59: {  	_ =	shalt  }
0x5a: {  	_ =	shalt  }
0x5b: {  	_ =	shalt  }
0x5c: {  	_ =	shalt  }
0x5d: {  	_ =	shalt  }
0x5e: {  	_ =	shalt  }
0x5f: {  	_ =	shalt  }
0x60: {  	_ =	shalt  }
0x61: {  	_ =	shalt  }
0x62: {  	_ =	shalt  }
0x63: {  	_ =	shalt  }
0x64: {  	_ =	shalt  }
0x65: {  	_ =	shalt  }
0x66: {  	_ =	shalt  }
0x67: {  	_ =	shalt  }
0x68: {  	_ =	shalt  }
0x69: {  	_ =	shalt  }
0x6a: {  	_ =	shalt  }
0x6b: {  	_ =	shalt  }
0x6c: {  	_ =	shalt  }
0x6d: {  	_ =	shalt  }
0x6e: {  	_ =	shalt  }
0x6f: {  	_ =	shalt  }
0x70: {  	_ =	shalt  }
0x71: {  	_ =	shalt  }
0x72: {  	_ =	shalt  }
0x73: {  	_ =	shalt  }
0x74: {  	_ =	shalt  }
0x75: {  	_ =	shalt  }
0x76: {  	_ =	shalt  }
0x77: {  	_ =	shalt  }
0x78: {  	_ =	shalt  }
0x79: {  	_ =	shalt  }
0x7a: {  	_ =	shalt  }
0x7b: {  	_ =	shalt  }
0x7c: {  	_ =	shalt  }
0x7d: {  	_ =	shalt  }
0x7e: {  	_ =	shalt  }
0x7f: {  	_ =	shalt  }
0x80: {  	_ =	shalt  }
0x81: {  	_ =	shalt  }
0x82: {  	_ =	shalt  }
0x83: {  	_ =	shalt  }
0x84: {  	_ =	shalt  }
0x85: {  	_ =	shalt  }
0x86: {  	_ =	shalt  }
0x87: {  	_ =	shalt  }
.Lfunc_end0:
.L_simem_size_0:
called_computation.4_lowered:
.L_overlay_start_0:
0x88: {  	s2 =	sld [smem:$0x3FD9]  }
0x89: {  	s3 =	sld [smem:$0x3FFE];
	_ =	sdelay $0x1  }
0x8a: {  	s1 =	srdreg.scid  }
0x8b: {  	s0 =	sand.u32 $0x1, s1  }
0x8c: {  	s16 =	sshll.u32 s0, $0xA;
	s2 =	sadd.s32 s3, s2  }
0x8d: {  	s2 =	sadd.s32 s2, s16  }
0x8e: {  	[smem:$0x3FB5] =	sst s2  }
0x8f: {  	_ = 	snop  }
0x90: {  	(tm) =	ssettm $0x1  }
0x91: {  	s17 =	sld [smem:$0x3FFB];
	_ =	sdelay $0x3  }
0x92: {  	_ =	strace s17  }
0x93: {  	s2 =	sld [smem:$0x3FFC];
	_ =	sdelay $0x3  }
0x94: {  	_ =	strace s2  }
0x95: {  	s2 =	sld [smem:$0x3FFD];
	_ =	sdelay $0x3  }
0x96: {  	_ =	strace s2  }
0x97: {  	_ =	strace $0x8FFFFFFF  }
0x98: {  	s18 =	sld [smem:$0x3FDB];
	_ =	sdelay $0x1  }
0x99: {  	s19 =	simm.s32 $_scs_section_size  }
0x9a: {  	s4 =	simm.s32 $_size__tile_overlayer_lowered;
	s5 =	simm.s32 $_tile_overlayer_lowered  }
0x9b: {  	s22 =	simm.s32 $0x1BFF;
	s21 =	sshll.u32 s5, $0x1;
	s2 =	sadd.s32 s19, s18  }
0x9c: {  	s6 =	simm.s32 $0x0;
	s20 =	sshll.u32 s4, $0x1;
	s4 =	sadd.s32 s21, s2  }
0x9d: {  	[timem:s6], [sflag:s22] =	dma.local [hbm:s4], s20  }
0x9e: {  	_ =	swait.ge [sflag:s22], s20  }
0x9f: {  	s3 =	ssub.s32 $0x0, s20;
	[sflag:s22] =	ssyncset.done $0x0  }
0xa0: {  	[sflag:s22] =	ssyncadd.s32 s3;
	_ =	sdelay $0x1  }
0xa1: {  	s23 =	simm.s32 $0x1B8B  }
0xa2: {  	_ =	swait.ge [sflag:s23], $0x1  }
0xa3: {  	[sflag:s23] =	ssyncset.done $0x0  }
0xa4: {  	s25 =	simm.s32 $0x1B8E;
	s24 =	sld [smem:$0x3FFE];
	[sflag:s23] =	ssyncadd.s32 $0xFFFFFFFF  }
0xa5: {  	s26 =	simm.s32 $execute0_lowered;
	[smem:$0x3FD2] =	sst s25  }
0xa6: {  	s4 =	sshll.u32 s26, $0x1;
	_ =	strace $0x80000052;
	[dreg:$0x1] =	wrdreg $0xFFFFFFFF  }
0xa7: {  	s28 =	simm.s32 $_size_execute0_lowered;
	s2 =	sadd.s32 s2, s4;
	[dreg:$0x0] =	wrdreg $0x0  }
0xa8: {  	s4 =	sshll.u32 s28, $0x1;
	[dreg:$0x2] =	wrdreg s2  }
0xa9: {  	[dreg:$0x3] =	wrdreg s4  }
0xaa: {  	[dreg:$0x4] =	wrdreg $0xC0  }
0xab: {  	_ =	task [dreg:s6], $0x5FFFF  }
0xac: {  	[dreg:$0x1] =	wrdreg $0xFFFFFFFF  }
0xad: {  	[dreg:$0x0] =	wrdreg $0x60  }
0xae: {  	[dreg:$0x2] =	wrdreg s24  }
0xaf: {  	[dreg:$0x3] =	wrdreg $0x41000  }
0xb0: {  	[dreg:$0x4] =	wrdreg $0x9  }
0xb1: {  	_ =	task.clear_ibuf [dreg:s6], $0x5FFFF;
	_ =	strace $0x90000052  }
0xb2: {  	s29 =	simm.s32 $0x9;
	_ =	strace $0x80000054  }
0xb3: {  	_ =	swait.ge [sflag:s29], $0x1  }
0xb4: {  	[sflag:s29] =	ssyncadd.s32 $0xFFFFFFFF  }
0xb5: {  	_ =	strace $0x90000054  }
0xb6: {  	_ =	sfence  }
0xb7: {  	s30 =	sld [smem:$0x0];
	_ =	sdelay $0x2  }
0xb8: {  	s31 =	sshll.u32 s1, $0xD;
	s1 =	sshrl.u32 s1, $0x2  }
0xb9: {  	s3 =	sand.u32 $0x4000, s31;
	s1 =	sadd.s32 s1, s30  }
0xba: {  	s0 =	sor.u32 s3, s0;
	s1 =	sshll.u32 s1, $0x11  }
0xbb: {  	s0 =	sor.u32 s1, s0  }
0xbc: {  	s0 =	sadd.s32 $0x8F2B, s0  }
0xbd: {  	[sflag:s0] =	ssyncadd.remote.s32 $0x1  }
0xbe: {  	_ =	sfence.sel $0xFFFF  }
0xbf: {  	[dreg:$0x0] =	wrdreg $0xFFFFFFFF;
	(pc) =	sbr.abs _section_cstart, $3  }
0xc0: {  	[dreg:$0x1] =	wrdreg $0xFFFFFFFF  }
0xc1: {  	_ =	task.clear_ibuf [dreg:s6], $0x2FFFF;
	_ =	strace $0x9FFFFFFF  }
0xc2: {  	(tm) =	ssettm $0x7FFFFFFF  }
0xc3: {  	_ =	shalt  }
tec
execute0_lowered:
.L_overlay_start_1:
0x0: {  	(tag) =	ssettag $0x1  }
0x1: {  	s5 =	rddreg [dreg:$0x0];
	s0 =	srdreg.scid  }
0x2: {  	s2 =	rddreg [dreg:$0x1];
	s1 =	stileid.u32  }
0x3: {  	s3 =	simm.s32 $0x0;
	s13 =	simm.s32 $0x80;
	s8 =	smul.u32 $0x13C00, s1  }
0x4: {  	s14 =	simm.s32 $0x100;
	s15 =	simm.s32 $0x1;
	s26 =	smul.u32 $0x4F000, s1  }
0x5: {  	s6 =	sand.u32 $0x1, s0;
	s0 =	rddreg [dreg:$0x2];
	s30 =	smul.u32 $0x4F0, s1  }
0x6: {  	s16 =	simm.s32 $0x0;
	[smem:$0x7FF] =	sst s3;
	s7 =	smul.u32 $0x4F00, s6  }
0x7: {  	s4 =	sadd.s32 $0x40A00, s5;
	s31 =	sshll.u32 s1, $0x6;
	s9 =	smul.u32 $0x13C000, s6  }
0x8: {  	_ =	strace $0x80000053;
	s6 =	ssub.s32 $0x2, s6;
	s25 =	sshrl.u32 s8, $0x3  }
0x9: {  	s28 =	sshrl.u32 s6, $0x1;
	s29 =	sshrl.u32 s26, $0x2;
	s10 =	sadd.s32 s7, s5  }
0xa: {  	s8 =	sadd.s32 s8, s9;
	s7 =	sadd.s32 s25, s5;
	s11 =	ssub.s32 s6, s28  }
0xb: {  	s12 =	sadd.s32 s29, s2;
	s6 =	sor.u32 $0x1C02, s31;
	s8 =	sshrl.u32 s8, $0x3  }
0xc: {  	s10 =	sadd.s32 s30, s10;
	s8 =	sadd.s32 s8, s5;
	s5 =	sadd.s32 $0x19200, s7  }
0xd: {  	s9 =	sadd.s32 $0xF400, s10;
	s10 =	sadd.s32 $0x5600, s10;
	s7 =	sadd.s32 $0x68200, s8  }
0xe: {  	s8 =	smax.u32 s11, $0x1;
	s11 =	sshrl.u32 s12, $0x3;
	s12 =	simm.s32 $0x2  }
.LBB2_1:
0xf: {  	[spmem:s11], [sflag:s6] =	dma.local [hbm:s5], $0x2780  }
0x10: {  	_ =	swait.ge [sflag:s12], $0x2780  }
0x11: {  	[sflag:s12] =	ssyncset.done $0x0  }
0x12: {  	[sflag:s12] =	ssyncadd.s32 $0xFFFFD880  }
0x13: {  	s17 =	sadd.s32 $0x0, s10;
	[bflag:$0x0] =	sbarrier.arrive $0xFFFF  }
0x14: {  	[tilespmem:s3], [sflag:$0x2] =	stream.linear.gather [hbm4b:s17+s3], $0x80, $0x38;
	[tilespmem:$0x17D00] =	vst v63  }
0x15: {  	_ =	swait.ge [sflag:s12], $0x80  }
0x16: {  	[sflag:s12] =	ssyncset.done $0x0  }
0x17: {  	s31 =	sadd.s32 $0x0, s9;
	[sflag:s12] =	ssyncadd.s32 $0xFFFFFF80  }
0x18: {  	[tilespmem:s13], [sflag:$0x2] =	stream.linear.gather [hbm4b:s31+s3], $0x80, $0x38;
	[tilespmem:$0x17D00] =	vst v63  }
0x19: {  	_ =	swait.ge [sflag:s12], $0x80  }
0x1a: {  	[sflag:s12] =	ssyncset.done $0x0  }
0x1b: {  	[sflag:s12] =	ssyncadd.s32 $0xFFFFFF80  }
0x1c: {  	[tilespmem:s14], [sflag:$0x1] =	stream.indirect.gather [hbm4b:s4+s13], $0x80, s3, s13, $0xb8;
	[tilespmem:$0x17D00] =	vst v63  }
0x1d: {  	_ =	swait.ge [sflag:s15], $0x4000  }
0x1e: {  	[sflag:s15] =	ssyncset.done $0x0  }
0x1f: {  	[sflag:s15] =	ssyncadd.s32 $0xFFFFC000  }
0x20: {  	[spmem:s2] =	stream.indirect.scatter.add.f32 [tilespmem:s14], [sflag:$0x2], $0x80, s13, s13, $0xb8;
	[tilespmem:$0x17D00] =	vst v63  }
0x21: {  	_ =	swait.ge [sflag:s12], $0x4000  }
0x22: {  	s18 =	simm.s32 $0x20;
	s17 =	simm.s32 $0x10;
	[sflag:s12] =	ssyncset.done $0x0  }
.LBB2_2:
0x23: {  	s19 =	sadd.s32 s17, s10  }
0x24: {  	[sflag:s12] =	ssyncadd.s32 $0xFFFFC000;
	s20 =	smov.u32 s18;
	s21 =	sadd.s32 $0x10, s18  }
0x25: {  	[tilespmem:s3], [sflag:$0x2] =	stream.linear.gather [hbm4b:s19+s3], $0x80, $0x38;
	[tilespmem:$0x17D00] =	vst v63  }
0x26: {  	p0 =	sne.s32 s18, $0x4E0;
	_ =	swait.ge [sflag:s12], $0x80  }
0x27: {  	[sflag:s12] =	ssyncset.done $0x0  }
0x28: {  	s18 =	sadd.s32 s17, s9;
	s17 =	smov.u32 s20;
	[sflag:s12] =	ssyncadd.s32 $0xFFFFFF80  }
0x29: {  	[tilespmem:s13], [sflag:$0x2] =	stream.linear.gather [hbm4b:s18+s3], $0x80, $0x38;
	[tilespmem:$0x17D00] =	vst v63  }
0x2a: {  	_ =	swait.ge [sflag:s12], $0x80  }
0x2b: {  	[sflag:s12] =	ssyncset.done $0x0  }
0x2c: {  	[sflag:s12] =	ssyncadd.s32 $0xFFFFFF80  }
0x2d: {  	[tilespmem:s14], [sflag:$0x1] =	stream.indirect.gather [hbm4b:s4+s13], $0x80, s3, s13, $0xb8;
	[tilespmem:$0x17D00] =	vst v63  }
0x2e: {  	_ =	swait.ge [sflag:s15], $0x4000  }
.Ltmp0:
0x2f: {  	[sflag:s15] =	ssyncset.done $0x0;
	(pc) =	sbr.rel @p0 .LBB2_2-.Ltmp0, $4  }
0x30: {  	[sflag:s15] =	ssyncadd.s32 $0xFFFFC000  }
0x31: {  	[spmem:s2] =	stream.indirect.scatter.add.f32 [tilespmem:s14], [sflag:$0x2], $0x80, s13, s13, $0xb8;
	[tilespmem:$0x17D00] =	vst v63  }
0x32: {  	_ =	swait.ge [sflag:s12], $0x4000  }
0x33: {  	s18 =	smov.u32 s21;
	[sflag:s12] =	ssyncset.done $0x0  }
0x34: {  	s18 =	sadd.s32 s17, s10;
	[sflag:s12] =	ssyncadd.s32 $0xFFFFC000  }
0x35: {  	[tilespmem:s3], [sflag:$0x2] =	stream.linear.gather [hbm4b:s18+s3], $0x80, $0x38;
	[tilespmem:$0x17D00] =	vst v63  }
0x36: {  	_ =	swait.ge [sflag:s12], $0x80  }
0x37: {  	[sflag:s12] =	ssyncset.done $0x0  }
0x38: {  	s31 =	sadd.s32 s17, s9;
	[sflag:s12] =	ssyncadd.s32 $0xFFFFFF80  }
0x39: {  	[tilespmem:s13], [sflag:$0x2] =	stream.linear.gather [hbm4b:s31+s3], $0x80, $0x38;
	[tilespmem:$0x17D00] =	vst v63  }
0x3a: {  	_ =	swait.ge [sflag:s12], $0x80  }
0x3b: {  	[sflag:s12] =	ssyncset.done $0x0  }
0x3c: {  	[sflag:s12] =	ssyncadd.s32 $0xFFFFFF80  }
0x3d: {  	[tilespmem:s14], [sflag:$0x1] =	stream.indirect.gather [hbm4b:s4+s13], $0x80, s3, s13, $0xb8;
	[tilespmem:$0x17D00] =	vst v63  }
0x3e: {  	_ =	swait.ge [sflag:s15], $0x4000  }
0x3f: {  	[sflag:s15] =	ssyncset.done $0x0  }
0x40: {  	[sflag:s15] =	ssyncadd.s32 $0xFFFFC000  }
0x41: {  	[spmem:s2] =	stream.indirect.scatter.add.f32 [tilespmem:s14], [sflag:$0x2], $0x80, s13, s13, $0xb8;
	[tilespmem:$0x17D00] =	vst v63  }
0x42: {  	_ =	swait.ge [sflag:s12], $0x4000  }
0x43: {  	s16 =	sadd.s32 $0x1, s16;
	[sflag:s12] =	ssyncset.done $0x0  }
0x44: {  	p0 =	sne.s32 s16, s8;
	[sflag:s12] =	ssyncadd.s32 $0xFFFFC000  }
.Ltmp1:
0x45: {  	[bflag:$0x0] =	sbarrier.arrive $0xFFFF;
	(pc) =	sbr.rel @p0 .LBB2_1-.Ltmp1, $4  }
0x46: {  	[hbm:s7], [sflag:s6] =	dma.local [spmem:s11], $0x2780  }
0x47: {  	_ =	swait.ge [sflag:s12], $0x2780  }
0x48: {  	[sflag:s12] =	ssyncset.done $0x0  }
0x49: {  	[sflag:s12] =	ssyncadd.s32 $0xFFFFD880  }
0x4a: {  	_ =	sfence.sel $0x180000  }
0x4b: {  	[bflag:$0x0] =	sbarrier.arrive $0xFFFF  }
0x4c: {  	p0 =	sne.s32 s1, $0x0;
	_ =	strace $0x90000053  }
0x4d: {  	s0 =	sadd.s32 @!p0 $0x100000, s0;
	[bflag:$0x2] =	sbarrier.arrive $0xFFFF  }
0x4e: {  	[sflag:s0] =	ssyncadd.tile.s32 @!p0 $0x1;
	_ =	shalt  }
.Lfunc_end2:
_tile_overlayer_lowered:
.L_overlay_start_2:
0x4f: {  	(tag) =	ssettag $0x2  }
0x50: {  	s0 =	rddreg [dreg:$0x0];
	s2 =	stileid.u32  }
0x51: {  	s1 =	rddreg [dreg:$0x1];
	p0 =	sne.s32 s2, $0x0  }
0x52: {  	s3 =	rddreg [dreg:$0x2];
	[bflag:$0x3] =	sbarrier.arrive $0xFFFF;
	s2 =	simm.s32 @!p0 $0x1C02  }
0x53: {  	[timem:s3], [sflag:s2] =	dma.local @!p0 [hbm:s0], s1  }
0x54: {  	s0 =	simm.s32 @!p0 $0x2  }
0x55: {  	_ =	swait.ge @!p0 [sflag:s0], s1  }
0x56: {  	s1 =	ssub.s32 @!p0 $0x0, s1;
	[sflag:s0] =	ssyncset.done @!p0 $0x0  }
0x57: {  	[sflag:s0] =	ssyncadd.s32 @!p0 s1  }
0x58: {  	[bflag:$0x3] =	sbarrier.arrive $0xFFFF  }
0x59: {  	_ =	shalt  }

</sc_bundles>
